<compile_context>
chip_gen: v7x
topology: tpu7x:2x2x1
jax: 0.10.2.dev20260603
libtpu: 0.0.44.dev20260713+nightly
codegen_flags: <defaults>
</compile_context>

<pallas_src>
import functools

import jax
import jax.numpy as jnp
from jax import lax
from jax.experimental import pallas as pl
from jax.experimental.pallas import tpu as pltpu
from jax.experimental.pallas import tpu_sc as plsc

NUM_CORES = 2
NUM_SUBCORES = 16
NUM_WORKERS = NUM_CORES * NUM_SUBCORES


def _make_lookup(B, H, D, D_pad):
    b_per_w = B // NUM_WORKERS
    assert B % NUM_WORKERS == 0 and b_per_w % 2 == 0
    n_sub = D_pad // 128
    n_full = D // 128
    Hp = -(-H // 8) * 8
    rows_per_b = Hp * n_sub

    mesh = plsc.VectorSubcoreMesh(
        core_axis_name="c",
        subcore_axis_name="s",
        num_cores=NUM_CORES,
        num_subcores=NUM_SUBCORES,
    )

    @functools.partial(
        pl.kernel,
        out_type=[
            jax.ShapeDtypeStruct((B, H, D), jnp.float32),
            jax.ShapeDtypeStruct((B, H, 128), jnp.float32),
        ],
        mesh=mesh,
        compiler_params=pltpu.CompilerParams(use_tc_tiling_on_sc=True),
        scratch_types=[
            pltpu.VMEM((b_per_w * rows_per_b,), jnp.int32),
            pltpu.VMEM((H, D), jnp.float32),
            pltpu.VMEM((H, D), jnp.float32),
            pltpu.VMEM((H, 128), jnp.float32),
            pltpu.VMEM((H, 128), jnp.float32),
            pltpu.SemaphoreType.DMA,
            pltpu.SemaphoreType.DMA,
            pltpu.SemaphoreType.DMA,
            pltpu.SemaphoreType.DMA,
            pltpu.SemaphoreType.DMA,
            pltpu.SemaphoreType.DMA,
        ],
    )
    def lookup(idx_hbm, w_hbm, out_hbm, aux_hbm, idx_v, wb0, wb1, tb0, tb1,
               gs0, gs1, ws0, ws1, vs0, vs1):
        sid = lax.axis_index("s")
        wid = sid * NUM_CORES + lax.axis_index("c")
        base_b = wid * b_per_w

        pltpu.sync_copy(
            idx_hbm.at[pl.ds(base_b * rows_per_b, b_per_w * rows_per_b)], idx_v
        )

        def gathers(g, wb, tb, sem):
            for j in range(n_full):
                pltpu.async_copy(
                    w_hbm.at[idx_v.at[pl.ds(g * rows_per_b + j * Hp, H)]],
                    wb.at[:, pl.ds(128 * j, 128)],
                    sem,
                )
            pltpu.async_copy(
                w_hbm.at[idx_v.at[pl.ds(g * rows_per_b + n_full * Hp, H)]],
                tb,
                sem,
            )

        def wait_gathers(wb, tb, sem):
            for j in range(n_full):
                pltpu.make_async_copy(
                    w_hbm.at[idx_v.at[pl.ds(0, H)]],
                    wb.at[:, pl.ds(128 * j, 128)],
                    sem,
                ).wait()
            pltpu.make_async_copy(
                w_hbm.at[idx_v.at[pl.ds(0, H)]], tb, sem
            ).wait()

        def write(g, wb, tb, sem, sem2):
            pltpu.async_copy(wb, out_hbm.at[base_b + g], sem)
            pltpu.async_copy(tb, aux_hbm.at[base_b + g], sem2)

        def wait_write(g, wb, tb, sem, sem2):
            pltpu.make_async_copy(wb, out_hbm.at[base_b + g], sem).wait()
            pltpu.make_async_copy(tb, aux_hbm.at[base_b + g], sem2).wait()

        gathers(0, wb0, tb0, gs0)
        gathers(1, wb1, tb1, gs1)

        @pl.loop(0, b_per_w - 2, step=2)
        def _(g):
            wait_gathers(wb0, tb0, gs0)
            write(g, wb0, tb0, ws0, vs0)
            wait_gathers(wb1, tb1, gs1)
            write(g + 1, wb1, tb1, ws1, vs1)
            wait_write(g, wb0, tb0, ws0, vs0)
            gathers(g + 2, wb0, tb0, gs0)
            wait_write(g + 1, wb1, tb1, ws1, vs1)
            gathers(g + 3, wb1, tb1, gs1)

        g = b_per_w - 2
        wait_gathers(wb0, tb0, gs0)
        write(g, wb0, tb0, ws0, vs0)
        wait_gathers(wb1, tb1, gs1)
        write(g + 1, wb1, tb1, ws1, vs1)
        wait_write(g, wb0, tb0, ws0, vs0)
        wait_write(g + 1, wb1, tb1, ws1, vs1)

    return lookup


def _tail_fix(main, aux, n_full):
    B, H, D = main.shape
    bb = 256

    def body(_, aux_ref, out_ref):
        out_ref[...] = aux_ref[...]

    return pl.pallas_call(
        body,
        grid=(B // bb,),
        in_specs=[
            pl.BlockSpec(memory_space=pl.ANY),
            pl.BlockSpec((bb, H, 128), lambda i: (i, 0, 0)),
        ],
        out_specs=pl.BlockSpec((bb, H, 128), lambda i: (i, 0, n_full)),
        out_shape=jax.ShapeDtypeStruct((B, H, D), jnp.float32),
        input_output_aliases={0: 0},
    )(main, aux)


def kernel(x, W):
    B, H = x.shape
    V, D = W.shape
    D_pad = -(-D // 128) * 128
    n_sub = D_pad // 128
    Hp = -(-H // 8) * 8
    w_sub = jnp.pad(W, ((0, 0), (0, D_pad - D))).reshape(V * n_sub, 128)
    idx8 = jnp.pad(
        x.astype(jnp.int32)[:, None, :] * n_sub
        + jnp.arange(n_sub, dtype=jnp.int32)[None, :, None],
        ((0, 0), (0, 0), (0, Hp - H)),
    ).reshape(-1)
    main, aux = _make_lookup(B, H, D, D_pad)(idx8, w_sub)
    if D % 128 == 0:
        return main
    return _tail_fix(main, aux, D // 128)

# --- scband reference (transcript-rebuilt; emitter-appended) ---
"""Pipeline reference for scband-simple-bigram-88055419503354 (READ-ONLY COPY).

The authoritative reference and input builder live on the scoring server;
editing this copy changes nothing except your own understanding.
"""

import jax, jax.numpy as jnp
import numpy as np

VOCAB = 1000
BATCH = 4096
HIST = 20

def setup_inputs(seed: int = 0) -> dict:
    key = jax.random.key(seed)
    k1, k2 = jax.random.split(key)
    x = jax.random.randint(k1, (BATCH, HIST), 0, VOCAB, dtype=jnp.int64 if jax.config.jax_enable_x64 else jnp.int32)
    # hk.Embed(vocab_size, vocab_size) embedding table [vocab, vocab]
    W = jax.random.truncated_normal(k2, -2.0, 2.0, (VOCAB, VOCAB), dtype=jnp.float32)
    return {"x": x, "W": W}

def reference(x, W):
    # hk.Embed lookup: gather rows of the embedding table
    return jnp.take(W, x, axis=0)

if __name__ == "__main__":
    import jax
    _d = setup_inputs()
    print(jax.jit(kernel)(*tuple(_d.values())))

</pallas_src>

<mosaic_0001>
#map = affine_map<(d0, d1) -> (0)>
#map1 = affine_map<(d0, d1) -> (0, 0)>
#map2 = affine_map<(d0, d1) -> (0, 0, 0)>
module attributes {stable_mosaic.version = 14 : i64} {
  func.func @lookup(%arg0: i32, %arg1: i32, %arg2: memref<786432xi32, #tpu.memory_space<hbm>>, %arg3: memref<8000x128xf32, #tpu.memory_space<hbm>>, %arg4: memref<4096x20x1000xf32, #tpu.memory_space<hbm>>, %arg5: memref<4096x20x128xf32, #tpu.memory_space<hbm>>, %arg6: memref<24576xi32, #tpu.memory_space<vmem>>, %arg7: memref<20x1000xf32, #tpu.memory_space<vmem>>, %arg8: memref<20x1000xf32, #tpu.memory_space<vmem>>, %arg9: memref<20x128xf32, #tpu.memory_space<vmem>>, %arg10: memref<20x128xf32, #tpu.memory_space<vmem>>, %arg11: memref<!tpu.dma_semaphore, #tpu.memory_space<semaphore_mem>>, %arg12: memref<!tpu.dma_semaphore, #tpu.memory_space<semaphore_mem>>, %arg13: memref<!tpu.dma_semaphore, #tpu.memory_space<semaphore_mem>>, %arg14: memref<!tpu.dma_semaphore, #tpu.memory_space<semaphore_mem>>, %arg15: memref<!tpu.dma_semaphore, #tpu.memory_space<semaphore_mem>>, %arg16: memref<!tpu.dma_semaphore, #tpu.memory_space<semaphore_mem>>) attributes {dimension_semantics = [#tpu.dimension_semantics<core_parallel>, #tpu.dimension_semantics<subcore_parallel>], iteration_bounds = array<i64: 2, 16>, scalar_prefetch = 0 : i64, scratch_operands = 11 : i64, tpu.core_type = #tpu.core_type<sc_vector_subcore>, window_params = [{transform_indices = #map}, {transform_indices = #map1}, {transform_indices = #map2}, {transform_indices = #map2}]} {
    %mul3A = arith.constant 2 : i32
    %mul3A_0 = arith.muli %arg1, %mul3A : i32
    %add3A = arith.addi %mul3A_0, %arg0 : i32
    %mul3A_1 = arith.constant 128 : i32
    %mul3A_2 = arith.muli %add3A, %mul3A_1 : i32
    %mul3A_3 = arith.constant 192 : i32
    %mul3A_4 = arith.muli %mul3A_2, %mul3A_3 : i32
    "tpu.region"() ({
      %run_scoped3A = tpu.sem_alloc : memref<!tpu.dma_semaphore, #tpu.memory_space<semaphore_mem>>
      %dma_start3A_331 = tpu.memref_slice %arg2[%mul3A_4] : memref<786432xi32, #tpu.memory_space<hbm>> -> memref<24576xi32, #tpu.memory_space<hbm>>
      %dma_start3A_332 = tpu.memref_slice %arg2[%mul3A_4] : memref<786432xi32, #tpu.memory_space<hbm>> -> memref<24576xi32, #tpu.memory_space<hbm>>
      tpu.enqueue_dma source(%dma_start3A_332 : memref<24576xi32, #tpu.memory_space<hbm>>) target(%arg6 : memref<24576xi32, #tpu.memory_space<vmem>>) target_semaphore(%run_scoped3A : memref<!tpu.dma_semaphore, #tpu.memory_space<semaphore_mem>>)
      %dma_wait3A_333 = tpu.memref_slice %arg2[%mul3A_4] : memref<786432xi32, #tpu.memory_space<hbm>> -> memref<24576xi32, #tpu.memory_space<hbm>>
      %dma_wait3A_334 = tpu.memref_slice %arg2[%mul3A_4] : memref<786432xi32, #tpu.memory_space<hbm>> -> memref<24576xi32, #tpu.memory_space<hbm>>
      tpu.wait_dma2 semaphore(%run_scoped3A : memref<!tpu.dma_semaphore, #tpu.memory_space<semaphore_mem>>) src(%dma_wait3A_334 : memref<24576xi32, #tpu.memory_space<hbm>>) dst(%arg6 : memref<24576xi32, #tpu.memory_space<vmem>>)
      tpu.yield
    }) : () -> ()
    %dma_start3A = arith.constant 0 : i32
    %dma_start3A_5 = arith.constant 0 : i32
    %dma_start3A_6 = tpu.memref_slice %arg7[%dma_start3A, %dma_start3A_5] : memref<20x1000xf32, #tpu.memory_space<vmem>> -> memref<20x128xf32, #tpu.memory_space<vmem>>
    %dma_start3A_7 = arith.constant 0 : i32
    %dma_start3A_8 = tpu.memref_slice %arg6[%dma_start3A_7] : memref<24576xi32, #tpu.memory_space<vmem>> -> memref<20xi32, #tpu.memory_space<vmem>>
    %dma_start3A_9 = arith.constant 0 : i32
    %dma_start3A_10 = arith.constant 0 : i32
    %dma_start3A_11 = tpu.memref_slice %arg3[%dma_start3A_9, %dma_start3A_10] : memref<8000x128xf32, #tpu.memory_space<hbm>> -> memref<8000x128xf32, #tpu.memory_space<hbm>>
    tpu.enqueue_indirect_dma source(%dma_start3A_11 : memref<8000x128xf32, #tpu.memory_space<hbm>>) target(%dma_start3A_6 : memref<20x128xf32, #tpu.memory_space<vmem>>) offsets(%dma_start3A_8 : memref<20xi32, #tpu.memory_space<vmem>>) semaphore(%arg11 : memref<!tpu.dma_semaphore, #tpu.memory_space<semaphore_mem>>)
    %dma_start3A_12 = arith.constant 0 : i32
    %dma_start3A_13 = arith.constant 128 : i32
    %dma_start3A_14 = tpu.memref_slice %arg7[%dma_start3A_12, %dma_start3A_13] : memref<20x1000xf32, #tpu.memory_space<vmem>> -> memref<20x128xf32, #tpu.memory_space<vmem>>
    %dma_start3A_15 = arith.constant 24 : i32
    %dma_start3A_16 = tpu.memref_slice %arg6[%dma_start3A_15] : memref<24576xi32, #tpu.memory_space<vmem>> -> memref<20xi32, #tpu.memory_space<vmem>>
    %dma_start3A_17 = arith.constant 0 : i32
    %dma_start3A_18 = arith.constant 0 : i32
    %dma_start3A_19 = tpu.memref_slice %arg3[%dma_start3A_17, %dma_start3A_18] : memref<8000x128xf32, #tpu.memory_space<hbm>> -> memref<8000x128xf32, #tpu.memory_space<hbm>>
    tpu.enqueue_indirect_dma source(%dma_start3A_19 : memref<8000x128xf32, #tpu.memory_space<hbm>>) target(%dma_start3A_14 : memref<20x128xf32, #tpu.memory_space<vmem>>) offsets(%dma_start3A_16 : memref<20xi32, #tpu.memory_space<vmem>>) semaphore(%arg11 : memref<!tpu.dma_semaphore, #tpu.memory_space<semaphore_mem>>)
    %dma_start3A_20 = arith.constant 0 : i32
    %dma_start3A_21 = arith.constant 256 : i32
    %dma_start3A_22 = tpu.memref_slice %arg7[%dma_start3A_20, %dma_start3A_21] : memref<20x1000xf32, #tpu.memory_space<vmem>> -> memref<20x128xf32, #tpu.memory_space<vmem>>
    %dma_start3A_23 = arith.constant 48 : i32
    %dma_start3A_24 = tpu.memref_slice %arg6[%dma_start3A_23] : memref<24576xi32, #tpu.memory_space<vmem>> -> memref<20xi32, #tpu.memory_space<vmem>>
    %dma_start3A_25 = arith.constant 0 : i32
    %dma_start3A_26 = arith.constant 0 : i32
    %dma_start3A_27 = tpu.memref_slice %arg3[%dma_start3A_25, %dma_start3A_26] : memref<8000x128xf32, #tpu.memory_space<hbm>> -> memref<8000x128xf32, #tpu.memory_space<hbm>>
    tpu.enqueue_indirect_dma source(%dma_start3A_27 : memref<8000x128xf32, #tpu.memory_space<hbm>>) target(%dma_start3A_22 : memref<20x128xf32, #tpu.memory_space<vmem>>) offsets(%dma_start3A_24 : memref<20xi32, #tpu.memory_space<vmem>>) semaphore(%arg11 : memref<!tpu.dma_semaphore, #tpu.memory_space<semaphore_mem>>)
    %dma_start3A_28 = arith.constant 0 : i32
    %dma_start3A_29 = arith.constant 384 : i32
    %dma_start3A_30 = tpu.memref_slice %arg7[%dma_start3A_28, %dma_start3A_29] : memref<20x1000xf32, #tpu.memory_space<vmem>> -> memref<20x128xf32, #tpu.memory_space<vmem>>
    %dma_start3A_31 = arith.constant 72 : i32
    %dma_start3A_32 = tpu.memref_slice %arg6[%dma_start3A_31] : memref<24576xi32, #tpu.memory_space<vmem>> -> memref<20xi32, #tpu.memory_space<vmem>>
    %dma_start3A_33 = arith.constant 0 : i32
    %dma_start3A_34 = arith.constant 0 : i32
    %dma_start3A_35 = tpu.memref_slice %arg3[%dma_start3A_33, %dma_start3A_34] : memref<8000x128xf32, #tpu.memory_space<hbm>> -> memref<8000x128xf32, #tpu.memory_space<hbm>>
    tpu.enqueue_indirect_dma source(%dma_start3A_35 : memref<8000x128xf32, #tpu.memory_space<hbm>>) target(%dma_start3A_30 : memref<20x128xf32, #tpu.memory_space<vmem>>) offsets(%dma_start3A_32 : memref<20xi32, #tpu.memory_space<vmem>>) semaphore(%arg11 : memref<!tpu.dma_semaphore, #tpu.memory_space<semaphore_mem>>)
    %dma_start3A_36 = arith.constant 0 : i32
    %dma_start3A_37 = arith.constant 512 : i32
    %dma_start3A_38 = tpu.memref_slice %arg7[%dma_start3A_36, %dma_start3A_37] : memref<20x1000xf32, #tpu.memory_space<vmem>> -> memref<20x128xf32, #tpu.memory_space<vmem>>
    %dma_start3A_39 = arith.constant 96 : i32
    %dma_start3A_40 = tpu.memref_slice %arg6[%dma_start3A_39] : memref<24576xi32, #tpu.memory_space<vmem>> -> memref<20xi32, #tpu.memory_space<vmem>>
    %dma_start3A_41 = arith.constant 0 : i32
    %dma_start3A_42 = arith.constant 0 : i32
    %dma_start3A_43 = tpu.memref_slice %arg3[%dma_start3A_41, %dma_start3A_42] : memref<8000x128xf32, #tpu.memory_space<hbm>> -> memref<8000x128xf32, #tpu.memory_space<hbm>>
    tpu.enqueue_indirect_dma source(%dma_start3A_43 : memref<8000x128xf32, #tpu.memory_space<hbm>>) target(%dma_start3A_38 : memref<20x128xf32, #tpu.memory_space<vmem>>) offsets(%dma_start3A_40 : memref<20xi32, #tpu.memory_space<vmem>>) semaphore(%arg11 : memref<!tpu.dma_semaphore, #tpu.memory_space<semaphore_mem>>)
    %dma_start3A_44 = arith.constant 0 : i32
    %dma_start3A_45 = arith.constant 640 : i32
    %dma_start3A_46 = tpu.memref_slice %arg7[%dma_start3A_44, %dma_start3A_45] : memref<20x1000xf32, #tpu.memory_space<vmem>> -> memref<20x128xf32, #tpu.memory_space<vmem>>
    %dma_start3A_47 = arith.constant 120 : i32
    %dma_start3A_48 = tpu.memref_slice %arg6[%dma_start3A_47] : memref<24576xi32, #tpu.memory_space<vmem>> -> memref<20xi32, #tpu.memory_space<vmem>>
    %dma_start3A_49 = arith.constant 0 : i32
    %dma_start3A_50 = arith.constant 0 : i32
    %dma_start3A_51 = tpu.memref_slice %arg3[%dma_start3A_49, %dma_start3A_50] : memref<8000x128xf32, #tpu.memory_space<hbm>> -> memref<8000x128xf32, #tpu.memory_space<hbm>>
    tpu.enqueue_indirect_dma source(%dma_start3A_51 : memref<8000x128xf32, #tpu.memory_space<hbm>>) target(%dma_start3A_46 : memref<20x128xf32, #tpu.memory_space<vmem>>) offsets(%dma_start3A_48 : memref<20xi32, #tpu.memory_space<vmem>>) semaphore(%arg11 : memref<!tpu.dma_semaphore, #tpu.memory_space<semaphore_mem>>)
    %dma_start3A_52 = arith.constant 0 : i32
    %dma_start3A_53 = arith.constant 768 : i32
    %dma_start3A_54 = tpu.memref_slice %arg7[%dma_start3A_52, %dma_start3A_53] : memref<20x1000xf32, #tpu.memory_space<vmem>> -> memref<20x128xf32, #tpu.memory_space<vmem>>
    %dma_start3A_55 = arith.constant 144 : i32
    %dma_start3A_56 = tpu.memref_slice %arg6[%dma_start3A_55] : memref<24576xi32, #tpu.memory_space<vmem>> -> memref<20xi32, #tpu.memory_space<vmem>>
    %dma_start3A_57 = arith.constant 0 : i32
    %dma_start3A_58 = arith.constant 0 : i32
    %dma_start3A_59 = tpu.memref_slice %arg3[%dma_start3A_57, %dma_start3A_58] : memref<8000x128xf32, #tpu.memory_space<hbm>> -> memref<8000x128xf32, #tpu.memory_space<hbm>>
    tpu.enqueue_indirect_dma source(%dma_start3A_59 : memref<8000x128xf32, #tpu.memory_space<hbm>>) target(%dma_start3A_54 : memref<20x128xf32, #tpu.memory_space<vmem>>) offsets(%dma_start3A_56 : memref<20xi32, #tpu.memory_space<vmem>>) semaphore(%arg11 : memref<!tpu.dma_semaphore, #tpu.memory_space<semaphore_mem>>)
    %dma_start3A_60 = arith.constant 168 : i32
    %dma_start3A_61 = tpu.memref_slice %arg6[%dma_start3A_60] : memref<24576xi32, #tpu.memory_space<vmem>> -> memref<20xi32, #tpu.memory_space<vmem>>
    %dma_start3A_62 = arith.constant 0 : i32
    %dma_start3A_63 = arith.constant 0 : i32
    %dma_start3A_64 = tpu.memref_slice %arg3[%dma_start3A_62, %dma_start3A_63] : memref<8000x128xf32, #tpu.memory_space<hbm>> -> memref<8000x128xf32, #tpu.memory_space<hbm>>
    tpu.enqueue_indirect_dma source(%dma_start3A_64 : memref<8000x128xf32, #tpu.memory_space<hbm>>) target(%arg9 : memref<20x128xf32, #tpu.memory_space<vmem>>) offsets(%dma_start3A_61 : memref<20xi32, #tpu.memory_space<vmem>>) semaphore(%arg11 : memref<!tpu.dma_semaphore, #tpu.memory_space<semaphore_mem>>)
    %dma_start3A_65 = arith.constant 0 : i32
    %dma_start3A_66 = arith.constant 0 : i32
    %dma_start3A_67 = tpu.memref_slice %arg8[%dma_start3A_65, %dma_start3A_66] : memref<20x1000xf32, #tpu.memory_space<vmem>> -> memref<20x128xf32, #tpu.memory_space<vmem>>
    %dma_start3A_68 = arith.constant 192 : i32
    %dma_start3A_69 = tpu.memref_slice %arg6[%dma_start3A_68] : memref<24576xi32, #tpu.memory_space<vmem>> -> memref<20xi32, #tpu.memory_space<vmem>>
    %dma_start3A_70 = arith.constant 0 : i32
    %dma_start3A_71 = arith.constant 0 : i32
    %dma_start3A_72 = tpu.memref_slice %arg3[%dma_start3A_70, %dma_start3A_71] : memref<8000x128xf32, #tpu.memory_space<hbm>> -> memref<8000x128xf32, #tpu.memory_space<hbm>>
    tpu.enqueue_indirect_dma source(%dma_start3A_72 : memref<8000x128xf32, #tpu.memory_space<hbm>>) target(%dma_start3A_67 : memref<20x128xf32, #tpu.memory_space<vmem>>) offsets(%dma_start3A_69 : memref<20xi32, #tpu.memory_space<vmem>>) semaphore(%arg12 : memref<!tpu.dma_semaphore, #tpu.memory_space<semaphore_mem>>)
    %dma_start3A_73 = arith.constant 0 : i32
    %dma_start3A_74 = arith.constant 128 : i32
    %dma_start3A_75 = tpu.memref_slice %arg8[%dma_start3A_73, %dma_start3A_74] : memref<20x1000xf32, #tpu.memory_space<vmem>> -> memref<20x128xf32, #tpu.memory_space<vmem>>
    %dma_start3A_76 = arith.constant 216 : i32
    %dma_start3A_77 = tpu.memref_slice %arg6[%dma_start3A_76] : memref<24576xi32, #tpu.memory_space<vmem>> -> memref<20xi32, #tpu.memory_space<vmem>>
    %dma_start3A_78 = arith.constant 0 : i32
    %dma_start3A_79 = arith.constant 0 : i32
    %dma_start3A_80 = tpu.memref_slice %arg3[%dma_start3A_78, %dma_start3A_79] : memref<8000x128xf32, #tpu.memory_space<hbm>> -> memref<8000x128xf32, #tpu.memory_space<hbm>>
    tpu.enqueue_indirect_dma source(%dma_start3A_80 : memref<8000x128xf32, #tpu.memory_space<hbm>>) target(%dma_start3A_75 : memref<20x128xf32, #tpu.memory_space<vmem>>) offsets(%dma_start3A_77 : memref<20xi32, #tpu.memory_space<vmem>>) semaphore(%arg12 : memref<!tpu.dma_semaphore, #tpu.memory_space<semaphore_mem>>)
    %dma_start3A_81 = arith.constant 0 : i32
    %dma_start3A_82 = arith.constant 256 : i32
    %dma_start3A_83 = tpu.memref_slice %arg8[%dma_start3A_81, %dma_start3A_82] : memref<20x1000xf32, #tpu.memory_space<vmem>> -> memref<20x128xf32, #tpu.memory_space<vmem>>
    %dma_start3A_84 = arith.constant 240 : i32
    %dma_start3A_85 = tpu.memref_slice %arg6[%dma_start3A_84] : memref<24576xi32, #tpu.memory_space<vmem>> -> memref<20xi32, #tpu.memory_space<vmem>>
    %dma_start3A_86 = arith.constant 0 : i32
    %dma_start3A_87 = arith.constant 0 : i32
    %dma_start3A_88 = tpu.memref_slice %arg3[%dma_start3A_86, %dma_start3A_87] : memref<8000x128xf32, #tpu.memory_space<hbm>> -> memref<8000x128xf32, #tpu.memory_space<hbm>>
    tpu.enqueue_indirect_dma source(%dma_start3A_88 : memref<8000x128xf32, #tpu.memory_space<hbm>>) target(%dma_start3A_83 : memref<20x128xf32, #tpu.memory_space<vmem>>) offsets(%dma_start3A_85 : memref<20xi32, #tpu.memory_space<vmem>>) semaphore(%arg12 : memref<!tpu.dma_semaphore, #tpu.memory_space<semaphore_mem>>)
    %dma_start3A_89 = arith.constant 0 : i32
    %dma_start3A_90 = arith.constant 384 : i32
    %dma_start3A_91 = tpu.memref_slice %arg8[%dma_start3A_89, %dma_start3A_90] : memref<20x1000xf32, #tpu.memory_space<vmem>> -> memref<20x128xf32, #tpu.memory_space<vmem>>
    %dma_start3A_92 = arith.constant 264 : i32
    %dma_start3A_93 = tpu.memref_slice %arg6[%dma_start3A_92] : memref<24576xi32, #tpu.memory_space<vmem>> -> memref<20xi32, #tpu.memory_space<vmem>>
    %dma_start3A_94 = arith.constant 0 : i32
    %dma_start3A_95 = arith.constant 0 : i32
    %dma_start3A_96 = tpu.memref_slice %arg3[%dma_start3A_94, %dma_start3A_95] : memref<8000x128xf32, #tpu.memory_space<hbm>> -> memref<8000x128xf32, #tpu.memory_space<hbm>>
    tpu.enqueue_indirect_dma source(%dma_start3A_96 : memref<8000x128xf32, #tpu.memory_space<hbm>>) target(%dma_start3A_91 : memref<20x128xf32, #tpu.memory_space<vmem>>) offsets(%dma_start3A_93 : memref<20xi32, #tpu.memory_space<vmem>>) semaphore(%arg12 : memref<!tpu.dma_semaphore, #tpu.memory_space<semaphore_mem>>)
    %dma_start3A_97 = arith.constant 0 : i32
    %dma_start3A_98 = arith.constant 512 : i32
    %dma_start3A_99 = tpu.memref_slice %arg8[%dma_start3A_97, %dma_start3A_98] : memref<20x1000xf32, #tpu.memory_space<vmem>> -> memref<20x128xf32, #tpu.memory_space<vmem>>
    %dma_start3A_100 = arith.constant 288 : i32
    %dma_start3A_101 = tpu.memref_slice %arg6[%dma_start3A_100] : memref<24576xi32, #tpu.memory_space<vmem>> -> memref<20xi32, #tpu.memory_space<vmem>>
    %dma_start3A_102 = arith.constant 0 : i32
    %dma_start3A_103 = arith.constant 0 : i32
    %dma_start3A_104 = tpu.memref_slice %arg3[%dma_start3A_102, %dma_start3A_103] : memref<8000x128xf32, #tpu.memory_space<hbm>> -> memref<8000x128xf32, #tpu.memory_space<hbm>>
    tpu.enqueue_indirect_dma source(%dma_start3A_104 : memref<8000x128xf32, #tpu.memory_space<hbm>>) target(%dma_start3A_99 : memref<20x128xf32, #tpu.memory_space<vmem>>) offsets(%dma_start3A_101 : memref<20xi32, #tpu.memory_space<vmem>>) semaphore(%arg12 : memref<!tpu.dma_semaphore, #tpu.memory_space<semaphore_mem>>)
    %dma_start3A_105 = arith.constant 0 : i32
    %dma_start3A_106 = arith.constant 640 : i32
    %dma_start3A_107 = tpu.memref_slice %arg8[%dma_start3A_105, %dma_start3A_106] : memref<20x1000xf32, #tpu.memory_space<vmem>> -> memref<20x128xf32, #tpu.memory_space<vmem>>
    %dma_start3A_108 = arith.constant 312 : i32
    %dma_start3A_109 = tpu.memref_slice %arg6[%dma_start3A_108] : memref<24576xi32, #tpu.memory_space<vmem>> -> memref<20xi32, #tpu.memory_space<vmem>>
    %dma_start3A_110 = arith.constant 0 : i32
    %dma_start3A_111 = arith.constant 0 : i32
    %dma_start3A_112 = tpu.memref_slice %arg3[%dma_start3A_110, %dma_start3A_111] : memref<8000x128xf32, #tpu.memory_space<hbm>> -> memref<8000x128xf32, #tpu.memory_space<hbm>>
    tpu.enqueue_indirect_dma source(%dma_start3A_112 : memref<8000x128xf32, #tpu.memory_space<hbm>>) target(%dma_start3A_107 : memref<20x128xf32, #tpu.memory_space<vmem>>) offsets(%dma_start3A_109 : memref<20xi32, #tpu.memory_space<vmem>>) semaphore(%arg12 : memref<!tpu.dma_semaphore, #tpu.memory_space<semaphore_mem>>)
    %dma_start3A_113 = arith.constant 0 : i32
    %dma_start3A_114 = arith.constant 768 : i32
    %dma_start3A_115 = tpu.memref_slice %arg8[%dma_start3A_113, %dma_start3A_114] : memref<20x1000xf32, #tpu.memory_space<vmem>> -> memref<20x128xf32, #tpu.memory_space<vmem>>
    %dma_start3A_116 = arith.constant 336 : i32
    %dma_start3A_117 = tpu.memref_slice %arg6[%dma_start3A_116] : memref<24576xi32, #tpu.memory_space<vmem>> -> memref<20xi32, #tpu.memory_space<vmem>>
    %dma_start3A_118 = arith.constant 0 : i32
    %dma_start3A_119 = arith.constant 0 : i32
    %dma_start3A_120 = tpu.memref_slice %arg3[%dma_start3A_118, %dma_start3A_119] : memref<8000x128xf32, #tpu.memory_space<hbm>> -> memref<8000x128xf32, #tpu.memory_space<hbm>>
    tpu.enqueue_indirect_dma source(%dma_start3A_120 : memref<8000x128xf32, #tpu.memory_space<hbm>>) target(%dma_start3A_115 : memref<20x128xf32, #tpu.memory_space<vmem>>) offsets(%dma_start3A_117 : memref<20xi32, #tpu.memory_space<vmem>>) semaphore(%arg12 : memref<!tpu.dma_semaphore, #tpu.memory_space<semaphore_mem>>)
    %dma_start3A_121 = arith.constant 360 : i32
    %dma_start3A_122 = tpu.memref_slice %arg6[%dma_start3A_121] : memref<24576xi32, #tpu.memory_space<vmem>> -> memref<20xi32, #tpu.memory_space<vmem>>
    %dma_start3A_123 = arith.constant 0 : i32
    %dma_start3A_124 = arith.constant 0 : i32
    %dma_start3A_125 = tpu.memref_slice %arg3[%dma_start3A_123, %dma_start3A_124] : memref<8000x128xf32, #tpu.memory_space<hbm>> -> memref<8000x128xf32, #tpu.memory_space<hbm>>
    tpu.enqueue_indirect_dma source(%dma_start3A_125 : memref<8000x128xf32, #tpu.memory_space<hbm>>) target(%arg10 : memref<20x128xf32, #tpu.memory_space<vmem>>) offsets(%dma_start3A_122 : memref<20xi32, #tpu.memory_space<vmem>>) semaphore(%arg12 : memref<!tpu.dma_semaphore, #tpu.memory_space<semaphore_mem>>)
    %scan3A = arith.constant 0 : i32
    %scan3A_126 = arith.constant 63 : i32
    %scan3A_127 = arith.addi %scan3A, %scan3A_126 : i32
    %scan3A_128 = arith.constant 1 : i32
    scf.for %scan3A_331 = %scan3A to %scan3A_127 step %scan3A_128  : i32 {
      %mul3A_332 = arith.constant 2 : i32
      %mul3A_333 = arith.muli %scan3A_331, %mul3A_332 : i32
      %add3A_334 = arith.constant 0 : i32
      %add3A_335 = arith.addi %add3A_334, %mul3A_333 : i32
      %dma_wait3A_336 = arith.constant 0 : i32
      %dma_wait3A_337 = arith.constant 0 : i32
      %dma_wait3A_338 = tpu.memref_slice %arg7[%dma_wait3A_336, %dma_wait3A_337] : memref<20x1000xf32, #tpu.memory_space<vmem>> -> memref<20x128xf32, #tpu.memory_space<vmem>>
      %dma_wait3A_339 = arith.constant 0 : i32
      %dma_wait3A_340 = tpu.memref_slice %arg6[%dma_wait3A_339] : memref<24576xi32, #tpu.memory_space<vmem>> -> memref<20xi32, #tpu.memory_space<vmem>>
      %dma_wait3A_341 = arith.constant 0 : i32
      %dma_wait3A_342 = arith.constant 0 : i32
      %dma_wait3A_343 = tpu.memref_slice %arg3[%dma_wait3A_341, %dma_wait3A_342] : memref<8000x128xf32, #tpu.memory_space<hbm>> -> memref<8000x128xf32, #tpu.memory_space<hbm>>
      tpu.wait_indirect_dma semaphore(%arg11 : memref<!tpu.dma_semaphore, #tpu.memory_space<semaphore_mem>>) src(%dma_wait3A_343 : memref<8000x128xf32, #tpu.memory_space<hbm>>) dst(%dma_wait3A_338 : memref<20x128xf32, #tpu.memory_space<vmem>>)
      %dma_wait3A_344 = arith.constant 0 : i32
      %dma_wait3A_345 = arith.constant 128 : i32
      %dma_wait3A_346 = tpu.memref_slice %arg7[%dma_wait3A_344, %dma_wait3A_345] : memref<20x1000xf32, #tpu.memory_space<vmem>> -> memref<20x128xf32, #tpu.memory_space<vmem>>
      %dma_wait3A_347 = arith.constant 0 : i32
      %dma_wait3A_348 = tpu.memref_slice %arg6[%dma_wait3A_347] : memref<24576xi32, #tpu.memory_space<vmem>> -> memref<20xi32, #tpu.memory_space<vmem>>
      %dma_wait3A_349 = arith.constant 0 : i32
      %dma_wait3A_350 = arith.constant 0 : i32
      %dma_wait3A_351 = tpu.memref_slice %arg3[%dma_wait3A_349, %dma_wait3A_350] : memref<8000x128xf32, #tpu.memory_space<hbm>> -> memref<8000x128xf32, #tpu.memory_space<hbm>>
      tpu.wait_indirect_dma semaphore(%arg11 : memref<!tpu.dma_semaphore, #tpu.memory_space<semaphore_mem>>) src(%dma_wait3A_351 : memref<8000x128xf32, #tpu.memory_space<hbm>>) dst(%dma_wait3A_346 : memref<20x128xf32, #tpu.memory_space<vmem>>)
      %dma_wait3A_352 = arith.constant 0 : i32
      %dma_wait3A_353 = arith.constant 256 : i32
      %dma_wait3A_354 = tpu.memref_slice %arg7[%dma_wait3A_352, %dma_wait3A_353] : memref<20x1000xf32, #tpu.memory_space<vmem>> -> memref<20x128xf32, #tpu.memory_space<vmem>>
      %dma_wait3A_355 = arith.constant 0 : i32
      %dma_wait3A_356 = tpu.memref_slice %arg6[%dma_wait3A_355] : memref<24576xi32, #tpu.memory_space<vmem>> -> memref<20xi32, #tpu.memory_space<vmem>>
      %dma_wait3A_357 = arith.constant 0 : i32
      %dma_wait3A_358 = arith.constant 0 : i32
      %dma_wait3A_359 = tpu.memref_slice %arg3[%dma_wait3A_357, %dma_wait3A_358] : memref<8000x128xf32, #tpu.memory_space<hbm>> -> memref<8000x128xf32, #tpu.memory_space<hbm>>
      tpu.wait_indirect_dma semaphore(%arg11 : memref<!tpu.dma_semaphore, #tpu.memory_space<semaphore_mem>>) src(%dma_wait3A_359 : memref<8000x128xf32, #tpu.memory_space<hbm>>) dst(%dma_wait3A_354 : memref<20x128xf32, #tpu.memory_space<vmem>>)
      %dma_wait3A_360 = arith.constant 0 : i32
      %dma_wait3A_361 = arith.constant 384 : i32
      %dma_wait3A_362 = tpu.memref_slice %arg7[%dma_wait3A_360, %dma_wait3A_361] : memref<20x1000xf32, #tpu.memory_space<vmem>> -> memref<20x128xf32, #tpu.memory_space<vmem>>
      %dma_wait3A_363 = arith.constant 0 : i32
      %dma_wait3A_364 = tpu.memref_slice %arg6[%dma_wait3A_363] : memref<24576xi32, #tpu.memory_space<vmem>> -> memref<20xi32, #tpu.memory_space<vmem>>
      %dma_wait3A_365 = arith.constant 0 : i32
      %dma_wait3A_366 = arith.constant 0 : i32
      %dma_wait3A_367 = tpu.memref_slice %arg3[%dma_wait3A_365, %dma_wait3A_366] : memref<8000x128xf32, #tpu.memory_space<hbm>> -> memref<8000x128xf32, #tpu.memory_space<hbm>>
      tpu.wait_indirect_dma semaphore(%arg11 : memref<!tpu.dma_semaphore, #tpu.memory_space<semaphore_mem>>) src(%dma_wait3A_367 : memref<8000x128xf32, #tpu.memory_space<hbm>>) dst(%dma_wait3A_362 : memref<20x128xf32, #tpu.memory_space<vmem>>)
      %dma_wait3A_368 = arith.constant 0 : i32
      %dma_wait3A_369 = arith.constant 512 : i32
      %dma_wait3A_370 = tpu.memref_slice %arg7[%dma_wait3A_368, %dma_wait3A_369] : memref<20x1000xf32, #tpu.memory_space<vmem>> -> memref<20x128xf32, #tpu.memory_space<vmem>>
      %dma_wait3A_371 = arith.constant 0 : i32
      %dma_wait3A_372 = tpu.memref_slice %arg6[%dma_wait3A_371] : memref<24576xi32, #tpu.memory_space<vmem>> -> memref<20xi32, #tpu.memory_space<vmem>>
      %dma_wait3A_373 = arith.constant 0 : i32
      %dma_wait3A_374 = arith.constant 0 : i32
      %dma_wait3A_375 = tpu.memref_slice %arg3[%dma_wait3A_373, %dma_wait3A_374] : memref<8000x128xf32, #tpu.memory_space<hbm>> -> memref<8000x128xf32, #tpu.memory_space<hbm>>
      tpu.wait_indirect_dma semaphore(%arg11 : memref<!tpu.dma_semaphore, #tpu.memory_space<semaphore_mem>>) src(%dma_wait3A_375 : memref<8000x128xf32, #tpu.memory_space<hbm>>) dst(%dma_wait3A_370 : memref<20x128xf32, #tpu.memory_space<vmem>>)
      %dma_wait3A_376 = arith.constant 0 : i32
      %dma_wait3A_377 = arith.constant 640 : i32
      %dma_wait3A_378 = tpu.memref_slice %arg7[%dma_wait3A_376, %dma_wait3A_377] : memref<20x1000xf32, #tpu.memory_space<vmem>> -> memref<20x128xf32, #tpu.memory_space<vmem>>
      %dma_wait3A_379 = arith.constant 0 : i32
      %dma_wait3A_380 = tpu.memref_slice %arg6[%dma_wait3A_379] : memref<24576xi32, #tpu.memory_space<vmem>> -> memref<20xi32, #tpu.memory_space<vmem>>
      %dma_wait3A_381 = arith.constant 0 : i32
      %dma_wait3A_382 = arith.constant 0 : i32
      %dma_wait3A_383 = tpu.memref_slice %arg3[%dma_wait3A_381, %dma_wait3A_382] : memref<8000x128xf32, #tpu.memory_space<hbm>> -> memref<8000x128xf32, #tpu.memory_space<hbm>>
      tpu.wait_indirect_dma semaphore(%arg11 : memref<!tpu.dma_semaphore, #tpu.memory_space<semaphore_mem>>) src(%dma_wait3A_383 : memref<8000x128xf32, #tpu.memory_space<hbm>>) dst(%dma_wait3A_378 : memref<20x128xf32, #tpu.memory_space<vmem>>)
      %dma_wait3A_384 = arith.constant 0 : i32
      %dma_wait3A_385 = arith.constant 768 : i32
      %dma_wait3A_386 = tpu.memref_slice %arg7[%dma_wait3A_384, %dma_wait3A_385] : memref<20x1000xf32, #tpu.memory_space<vmem>> -> memref<20x128xf32, #tpu.memory_space<vmem>>
      %dma_wait3A_387 = arith.constant 0 : i32
      %dma_wait3A_388 = tpu.memref_slice %arg6[%dma_wait3A_387] : memref<24576xi32, #tpu.memory_space<vmem>> -> memref<20xi32, #tpu.memory_space<vmem>>
      %dma_wait3A_389 = arith.constant 0 : i32
      %dma_wait3A_390 = arith.constant 0 : i32
      %dma_wait3A_391 = tpu.memref_slice %arg3[%dma_wait3A_389, %dma_wait3A_390] : memref<8000x128xf32, #tpu.memory_space<hbm>> -> memref<8000x128xf32, #tpu.memory_space<hbm>>
      tpu.wait_indirect_dma semaphore(%arg11 : memref<!tpu.dma_semaphore, #tpu.memory_space<semaphore_mem>>) src(%dma_wait3A_391 : memref<8000x128xf32, #tpu.memory_space<hbm>>) dst(%dma_wait3A_386 : memref<20x128xf32, #tpu.memory_space<vmem>>)
      %dma_wait3A_392 = arith.constant 0 : i32
      %dma_wait3A_393 = tpu.memref_slice %arg6[%dma_wait3A_392] : memref<24576xi32, #tpu.memory_space<vmem>> -> memref<20xi32, #tpu.memory_space<vmem>>
      %dma_wait3A_394 = arith.constant 0 : i32
      %dma_wait3A_395 = arith.constant 0 : i32
      %dma_wait3A_396 = tpu.memref_slice %arg3[%dma_wait3A_394, %dma_wait3A_395] : memref<8000x128xf32, #tpu.memory_space<hbm>> -> memref<8000x128xf32, #tpu.memory_space<hbm>>
      tpu.wait_indirect_dma semaphore(%arg11 : memref<!tpu.dma_semaphore, #tpu.memory_space<semaphore_mem>>) src(%dma_wait3A_396 : memref<8000x128xf32, #tpu.memory_space<hbm>>) dst(%arg9 : memref<20x128xf32, #tpu.memory_space<vmem>>)
      %add3A_397 = arith.addi %mul3A_2, %add3A_335 : i32
      %dma_start3A_398 = arith.constant 0 : i32
      %dma_start3A_399 = arith.constant 0 : i32
      %dma_start3A_400 = tpu.memref_slice %arg4[%add3A_397, %dma_start3A_398, %dma_start3A_399] : memref<4096x20x1000xf32, #tpu.memory_space<hbm>> -> memref<1x20x1000xf32, #tpu.memory_space<hbm>>
      %dma_start3A_401 = tpu.memref_squeeze %dma_start3A_400 : memref<1x20x1000xf32, #tpu.memory_space<hbm>> -> memref<20x1000xf32, #tpu.memory_space<hbm>>
      %dma_start3A_402 = arith.constant 0 : i32
      %dma_start3A_403 = arith.constant 0 : i32
      %dma_start3A_404 = tpu.memref_slice %arg4[%add3A_397, %dma_start3A_402, %dma_start3A_403] : memref<4096x20x1000xf32, #tpu.memory_space<hbm>> -> memref<1x20x1000xf32, #tpu.memory_space<hbm>>
      %dma_start3A_405 = tpu.memref_squeeze %dma_start3A_404 : memref<1x20x1000xf32, #tpu.memory_space<hbm>> -> memref<20x1000xf32, #tpu.memory_space<hbm>>
      tpu.enqueue_dma source(%arg7 : memref<20x1000xf32, #tpu.memory_space<vmem>>) target(%dma_start3A_405 : memref<20x1000xf32, #tpu.memory_space<hbm>>) target_semaphore(%arg13 : memref<!tpu.dma_semaphore, #tpu.memory_space<semaphore_mem>>)
      %add3A_406 = arith.addi %mul3A_2, %add3A_335 : i32
      %dma_start3A_407 = arith.constant 0 : i32
      %dma_start3A_408 = arith.constant 0 : i32
      %dma_start3A_409 = tpu.memref_slice %arg5[%add3A_406, %dma_start3A_407, %dma_start3A_408] : memref<4096x20x128xf32, #tpu.memory_space<hbm>> -> memref<1x20x128xf32, #tpu.memory_space<hbm>>
      %dma_start3A_410 = tpu.memref_squeeze %dma_start3A_409 : memref<1x20x128xf32, #tpu.memory_space<hbm>> -> memref<20x128xf32, #tpu.memory_space<hbm>>
      %dma_start3A_411 = arith.constant 0 : i32
      %dma_start3A_412 = arith.constant 0 : i32
      %dma_start3A_413 = tpu.memref_slice %arg5[%add3A_406, %dma_start3A_411, %dma_start3A_412] : memref<4096x20x128xf32, #tpu.memory_space<hbm>> -> memref<1x20x128xf32, #tpu.memory_space<hbm>>
      %dma_start3A_414 = tpu.memref_squeeze %dma_start3A_413 : memref<1x20x128xf32, #tpu.memory_space<hbm>> -> memref<20x128xf32, #tpu.memory_space<hbm>>
      tpu.enqueue_dma source(%arg9 : memref<20x128xf32, #tpu.memory_space<vmem>>) target(%dma_start3A_414 : memref<20x128xf32, #tpu.memory_space<hbm>>) target_semaphore(%arg15 : memref<!tpu.dma_semaphore, #tpu.memory_space<semaphore_mem>>)
      %dma_wait3A_415 = arith.constant 0 : i32
      %dma_wait3A_416 = arith.constant 0 : i32
      %dma_wait3A_417 = tpu.memref_slice %arg8[%dma_wait3A_415, %dma_wait3A_416] : memref<20x1000xf32, #tpu.memory_space<vmem>> -> memref<20x128xf32, #tpu.memory_space<vmem>>
      %dma_wait3A_418 = arith.constant 0 : i32
      %dma_wait3A_419 = tpu.memref_slice %arg6[%dma_wait3A_418] : memref<24576xi32, #tpu.memory_space<vmem>> -> memref<20xi32, #tpu.memory_space<vmem>>
      %dma_wait3A_420 = arith.constant 0 : i32
      %dma_wait3A_421 = arith.constant 0 : i32
      %dma_wait3A_422 = tpu.memref_slice %arg3[%dma_wait3A_420, %dma_wait3A_421] : memref<8000x128xf32, #tpu.memory_space<hbm>> -> memref<8000x128xf32, #tpu.memory_space<hbm>>
      tpu.wait_indirect_dma semaphore(%arg12 : memref<!tpu.dma_semaphore, #tpu.memory_space<semaphore_mem>>) src(%dma_wait3A_422 : memref<8000x128xf32, #tpu.memory_space<hbm>>) dst(%dma_wait3A_417 : memref<20x128xf32, #tpu.memory_space<vmem>>)
      %dma_wait3A_423 = arith.constant 0 : i32
      %dma_wait3A_424 = arith.constant 128 : i32
      %dma_wait3A_425 = tpu.memref_slice %arg8[%dma_wait3A_423, %dma_wait3A_424] : memref<20x1000xf32, #tpu.memory_space<vmem>> -> memref<20x128xf32, #tpu.memory_space<vmem>>
      %dma_wait3A_426 = arith.constant 0 : i32
      %dma_wait3A_427 = tpu.memref_slice %arg6[%dma_wait3A_426] : memref<24576xi32, #tpu.memory_space<vmem>> -> memref<20xi32, #tpu.memory_space<vmem>>
      %dma_wait3A_428 = arith.constant 0 : i32
      %dma_wait3A_429 = arith.constant 0 : i32
      %dma_wait3A_430 = tpu.memref_slice %arg3[%dma_wait3A_428, %dma_wait3A_429] : memref<8000x128xf32, #tpu.memory_space<hbm>> -> memref<8000x128xf32, #tpu.memory_space<hbm>>
      tpu.wait_indirect_dma semaphore(%arg12 : memref<!tpu.dma_semaphore, #tpu.memory_space<semaphore_mem>>) src(%dma_wait3A_430 : memref<8000x128xf32, #tpu.memory_space<hbm>>) dst(%dma_wait3A_425 : memref<20x128xf32, #tpu.memory_space<vmem>>)
      %dma_wait3A_431 = arith.constant 0 : i32
      %dma_wait3A_432 = arith.constant 256 : i32
      %dma_wait3A_433 = tpu.memref_slice %arg8[%dma_wait3A_431, %dma_wait3A_432] : memref<20x1000xf32, #tpu.memory_space<vmem>> -> memref<20x128xf32, #tpu.memory_space<vmem>>
      %dma_wait3A_434 = arith.constant 0 : i32
      %dma_wait3A_435 = tpu.memref_slice %arg6[%dma_wait3A_434] : memref<24576xi32, #tpu.memory_space<vmem>> -> memref<20xi32, #tpu.memory_space<vmem>>
      %dma_wait3A_436 = arith.constant 0 : i32
      %dma_wait3A_437 = arith.constant 0 : i32
      %dma_wait3A_438 = tpu.memref_slice %arg3[%dma_wait3A_436, %dma_wait3A_437] : memref<8000x128xf32, #tpu.memory_space<hbm>> -> memref<8000x128xf32, #tpu.memory_space<hbm>>
      tpu.wait_indirect_dma semaphore(%arg12 : memref<!tpu.dma_semaphore, #tpu.memory_space<semaphore_mem>>) src(%dma_wait3A_438 : memref<8000x128xf32, #tpu.memory_space<hbm>>) dst(%dma_wait3A_433 : memref<20x128xf32, #tpu.memory_space<vmem>>)
      %dma_wait3A_439 = arith.constant 0 : i32
      %dma_wait3A_440 = arith.constant 384 : i32
      %dma_wait3A_441 = tpu.memref_slice %arg8[%dma_wait3A_439, %dma_wait3A_440] : memref<20x1000xf32, #tpu.memory_space<vmem>> -> memref<20x128xf32, #tpu.memory_space<vmem>>
      %dma_wait3A_442 = arith.constant 0 : i32
      %dma_wait3A_443 = tpu.memref_slice %arg6[%dma_wait3A_442] : memref<24576xi32, #tpu.memory_space<vmem>> -> memref<20xi32, #tpu.memory_space<vmem>>
      %dma_wait3A_444 = arith.constant 0 : i32
      %dma_wait3A_445 = arith.constant 0 : i32
      %dma_wait3A_446 = tpu.memref_slice %arg3[%dma_wait3A_444, %dma_wait3A_445] : memref<8000x128xf32, #tpu.memory_space<hbm>> -> memref<8000x128xf32, #tpu.memory_space<hbm>>
      tpu.wait_indirect_dma semaphore(%arg12 : memref<!tpu.dma_semaphore, #tpu.memory_space<semaphore_mem>>) src(%dma_wait3A_446 : memref<8000x128xf32, #tpu.memory_space<hbm>>) dst(%dma_wait3A_441 : memref<20x128xf32, #tpu.memory_space<vmem>>)
      %dma_wait3A_447 = arith.constant 0 : i32
      %dma_wait3A_448 = arith.constant 512 : i32
      %dma_wait3A_449 = tpu.memref_slice %arg8[%dma_wait3A_447, %dma_wait3A_448] : memref<20x1000xf32, #tpu.memory_space<vmem>> -> memref<20x128xf32, #tpu.memory_space<vmem>>
      %dma_wait3A_450 = arith.constant 0 : i32
      %dma_wait3A_451 = tpu.memref_slice %arg6[%dma_wait3A_450] : memref<24576xi32, #tpu.memory_space<vmem>> -> memref<20xi32, #tpu.memory_space<vmem>>
      %dma_wait3A_452 = arith.constant 0 : i32
      %dma_wait3A_453 = arith.constant 0 : i32
      %dma_wait3A_454 = tpu.memref_slice %arg3[%dma_wait3A_452, %dma_wait3A_453] : memref<8000x128xf32, #tpu.memory_space<hbm>> -> memref<8000x128xf32, #tpu.memory_space<hbm>>
      tpu.wait_indirect_dma semaphore(%arg12 : memref<!tpu.dma_semaphore, #tpu.memory_space<semaphore_mem>>) src(%dma_wait3A_454 : memref<8000x128xf32, #tpu.memory_space<hbm>>) dst(%dma_wait3A_449 : memref<20x128xf32, #tpu.memory_space<vmem>>)
      %dma_wait3A_455 = arith.constant 0 : i32
      %dma_wait3A_456 = arith.constant 640 : i32
      %dma_wait3A_457 = tpu.memref_slice %arg8[%dma_wait3A_455, %dma_wait3A_456] : memref<20x1000xf32, #tpu.memory_space<vmem>> -> memref<20x128xf32, #tpu.memory_space<vmem>>
      %dma_wait3A_458 = arith.constant 0 : i32
      %dma_wait3A_459 = tpu.memref_slice %arg6[%dma_wait3A_458] : memref<24576xi32, #tpu.memory_space<vmem>> -> memref<20xi32, #tpu.memory_space<vmem>>
      %dma_wait3A_460 = arith.constant 0 : i32
      %dma_wait3A_461 = arith.constant 0 : i32
      %dma_wait3A_462 = tpu.memref_slice %arg3[%dma_wait3A_460, %dma_wait3A_461] : memref<8000x128xf32, #tpu.memory_space<hbm>> -> memref<8000x128xf32, #tpu.memory_space<hbm>>
      tpu.wait_indirect_dma semaphore(%arg12 : memref<!tpu.dma_semaphore, #tpu.memory_space<semaphore_mem>>) src(%dma_wait3A_462 : memref<8000x128xf32, #tpu.memory_space<hbm>>) dst(%dma_wait3A_457 : memref<20x128xf32, #tpu.memory_space<vmem>>)
      %dma_wait3A_463 = arith.constant 0 : i32
      %dma_wait3A_464 = arith.constant 768 : i32
      %dma_wait3A_465 = tpu.memref_slice %arg8[%dma_wait3A_463, %dma_wait3A_464] : memref<20x1000xf32, #tpu.memory_space<vmem>> -> memref<20x128xf32, #tpu.memory_space<vmem>>
      %dma_wait3A_466 = arith.constant 0 : i32
      %dma_wait3A_467 = tpu.memref_slice %arg6[%dma_wait3A_466] : memref<24576xi32, #tpu.memory_space<vmem>> -> memref<20xi32, #tpu.memory_space<vmem>>
      %dma_wait3A_468 = arith.constant 0 : i32
      %dma_wait3A_469 = arith.constant 0 : i32
      %dma_wait3A_470 = tpu.memref_slice %arg3[%dma_wait3A_468, %dma_wait3A_469] : memref<8000x128xf32, #tpu.memory_space<hbm>> -> memref<8000x128xf32, #tpu.memory_space<hbm>>
      tpu.wait_indirect_dma semaphore(%arg12 : memref<!tpu.dma_semaphore, #tpu.memory_space<semaphore_mem>>) src(%dma_wait3A_470 : memref<8000x128xf32, #tpu.memory_space<hbm>>) dst(%dma_wait3A_465 : memref<20x128xf32, #tpu.memory_space<vmem>>)
      %dma_wait3A_471 = arith.constant 0 : i32
      %dma_wait3A_472 = tpu.memref_slice %arg6[%dma_wait3A_471] : memref<24576xi32, #tpu.memory_space<vmem>> -> memref<20xi32, #tpu.memory_space<vmem>>
      %dma_wait3A_473 = arith.constant 0 : i32
      %dma_wait3A_474 = arith.constant 0 : i32
      %dma_wait3A_475 = tpu.memref_slice %arg3[%dma_wait3A_473, %dma_wait3A_474] : memref<8000x128xf32, #tpu.memory_space<hbm>> -> memref<8000x128xf32, #tpu.memory_space<hbm>>
      tpu.wait_indirect_dma semaphore(%arg12 : memref<!tpu.dma_semaphore, #tpu.memory_space<semaphore_mem>>) src(%dma_wait3A_475 : memref<8000x128xf32, #tpu.memory_space<hbm>>) dst(%arg10 : memref<20x128xf32, #tpu.memory_space<vmem>>)
      %add3A_476 = arith.constant 1 : i32
      %add3A_477 = arith.addi %add3A_335, %add3A_476 : i32
      %add3A_478 = arith.addi %mul3A_2, %add3A_477 : i32
      %dma_start3A_479 = arith.constant 0 : i32
      %dma_start3A_480 = arith.constant 0 : i32
      %dma_start3A_481 = tpu.memref_slice %arg4[%add3A_478, %dma_start3A_479, %dma_start3A_480] : memref<4096x20x1000xf32, #tpu.memory_space<hbm>> -> memref<1x20x1000xf32, #tpu.memory_space<hbm>>
      %dma_start3A_482 = tpu.memref_squeeze %dma_start3A_481 : memref<1x20x1000xf32, #tpu.memory_space<hbm>> -> memref<20x1000xf32, #tpu.memory_space<hbm>>
      %dma_start3A_483 = arith.constant 0 : i32
      %dma_start3A_484 = arith.constant 0 : i32
      %dma_start3A_485 = tpu.memref_slice %arg4[%add3A_478, %dma_start3A_483, %dma_start3A_484] : memref<4096x20x1000xf32, #tpu.memory_space<hbm>> -> memref<1x20x1000xf32, #tpu.memory_space<hbm>>
      %dma_start3A_486 = tpu.memref_squeeze %dma_start3A_485 : memref<1x20x1000xf32, #tpu.memory_space<hbm>> -> memref<20x1000xf32, #tpu.memory_space<hbm>>
      tpu.enqueue_dma source(%arg8 : memref<20x1000xf32, #tpu.memory_space<vmem>>) target(%dma_start3A_486 : memref<20x1000xf32, #tpu.memory_space<hbm>>) target_semaphore(%arg14 : memref<!tpu.dma_semaphore, #tpu.memory_space<semaphore_mem>>)
      %add3A_487 = arith.addi %mul3A_2, %add3A_477 : i32
      %dma_start3A_488 = arith.constant 0 : i32
      %dma_start3A_489 = arith.constant 0 : i32
      %dma_start3A_490 = tpu.memref_slice %arg5[%add3A_487, %dma_start3A_488, %dma_start3A_489] : memref<4096x20x128xf32, #tpu.memory_space<hbm>> -> memref<1x20x128xf32, #tpu.memory_space<hbm>>
      %dma_start3A_491 = tpu.memref_squeeze %dma_start3A_490 : memref<1x20x128xf32, #tpu.memory_space<hbm>> -> memref<20x128xf32, #tpu.memory_space<hbm>>
      %dma_start3A_492 = arith.constant 0 : i32
      %dma_start3A_493 = arith.constant 0 : i32
      %dma_start3A_494 = tpu.memref_slice %arg5[%add3A_487, %dma_start3A_492, %dma_start3A_493] : memref<4096x20x128xf32, #tpu.memory_space<hbm>> -> memref<1x20x128xf32, #tpu.memory_space<hbm>>
      %dma_start3A_495 = tpu.memref_squeeze %dma_start3A_494 : memref<1x20x128xf32, #tpu.memory_space<hbm>> -> memref<20x128xf32, #tpu.memory_space<hbm>>
      tpu.enqueue_dma source(%arg10 : memref<20x128xf32, #tpu.memory_space<vmem>>) target(%dma_start3A_495 : memref<20x128xf32, #tpu.memory_space<hbm>>) target_semaphore(%arg16 : memref<!tpu.dma_semaphore, #tpu.memory_space<semaphore_mem>>)
      %add3A_496 = arith.addi %mul3A_2, %add3A_335 : i32
      %dma_wait3A_497 = arith.constant 0 : i32
      %dma_wait3A_498 = arith.constant 0 : i32
      %dma_wait3A_499 = tpu.memref_slice %arg4[%add3A_496, %dma_wait3A_497, %dma_wait3A_498] : memref<4096x20x1000xf32, #tpu.memory_space<hbm>> -> memref<1x20x1000xf32, #tpu.memory_space<hbm>>
      %dma_wait3A_500 = tpu.memref_squeeze %dma_wait3A_499 : memref<1x20x1000xf32, #tpu.memory_space<hbm>> -> memref<20x1000xf32, #tpu.memory_space<hbm>>
      %dma_wait3A_501 = arith.constant 0 : i32
      %dma_wait3A_502 = arith.constant 0 : i32
      %dma_wait3A_503 = tpu.memref_slice %arg4[%add3A_496, %dma_wait3A_501, %dma_wait3A_502] : memref<4096x20x1000xf32, #tpu.memory_space<hbm>> -> memref<1x20x1000xf32, #tpu.memory_space<hbm>>
      %dma_wait3A_504 = tpu.memref_squeeze %dma_wait3A_503 : memref<1x20x1000xf32, #tpu.memory_space<hbm>> -> memref<20x1000xf32, #tpu.memory_space<hbm>>
      tpu.wait_dma2 semaphore(%arg13 : memref<!tpu.dma_semaphore, #tpu.memory_space<semaphore_mem>>) src(%arg7 : memref<20x1000xf32, #tpu.memory_space<vmem>>) dst(%dma_wait3A_504 : memref<20x1000xf32, #tpu.memory_space<hbm>>)
      %add3A_505 = arith.addi %mul3A_2, %add3A_335 : i32
      %dma_wait3A_506 = arith.constant 0 : i32
      %dma_wait3A_507 = arith.constant 0 : i32
      %dma_wait3A_508 = tpu.memref_slice %arg5[%add3A_505, %dma_wait3A_506, %dma_wait3A_507] : memref<4096x20x128xf32, #tpu.memory_space<hbm>> -> memref<1x20x128xf32, #tpu.memory_space<hbm>>
      %dma_wait3A_509 = tpu.memref_squeeze %dma_wait3A_508 : memref<1x20x128xf32, #tpu.memory_space<hbm>> -> memref<20x128xf32, #tpu.memory_space<hbm>>
      %dma_wait3A_510 = arith.constant 0 : i32
      %dma_wait3A_511 = arith.constant 0 : i32
      %dma_wait3A_512 = tpu.memref_slice %arg5[%add3A_505, %dma_wait3A_510, %dma_wait3A_511] : memref<4096x20x128xf32, #tpu.memory_space<hbm>> -> memref<1x20x128xf32, #tpu.memory_space<hbm>>
      %dma_wait3A_513 = tpu.memref_squeeze %dma_wait3A_512 : memref<1x20x128xf32, #tpu.memory_space<hbm>> -> memref<20x128xf32, #tpu.memory_space<hbm>>
      tpu.wait_dma2 semaphore(%arg15 : memref<!tpu.dma_semaphore, #tpu.memory_space<semaphore_mem>>) src(%arg9 : memref<20x128xf32, #tpu.memory_space<vmem>>) dst(%dma_wait3A_513 : memref<20x128xf32, #tpu.memory_space<hbm>>)
      %add3A_514 = arith.constant 2 : i32
      %add3A_515 = arith.addi %add3A_335, %add3A_514 : i32
      %mul3A_516 = arith.constant 192 : i32
      %mul3A_517 = arith.muli %add3A_515, %mul3A_516 : i32
      %add3A_518 = arith.constant 0 : i32
      %add3A_519 = arith.addi %mul3A_517, %add3A_518 : i32
      %dma_start3A_520 = arith.constant 0 : i32
      %dma_start3A_521 = arith.constant 0 : i32
      %dma_start3A_522 = tpu.memref_slice %arg7[%dma_start3A_520, %dma_start3A_521] : memref<20x1000xf32, #tpu.memory_space<vmem>> -> memref<20x128xf32, #tpu.memory_space<vmem>>
      %dma_start3A_523 = tpu.memref_slice %arg6[%add3A_519] : memref<24576xi32, #tpu.memory_space<vmem>> -> memref<20xi32, #tpu.memory_space<vmem>>
      %dma_start3A_524 = arith.constant 0 : i32
      %dma_start3A_525 = arith.constant 0 : i32
      %dma_start3A_526 = tpu.memref_slice %arg3[%dma_start3A_524, %dma_start3A_525] : memref<8000x128xf32, #tpu.memory_space<hbm>> -> memref<8000x128xf32, #tpu.memory_space<hbm>>
      tpu.enqueue_indirect_dma source(%dma_start3A_526 : memref<8000x128xf32, #tpu.memory_space<hbm>>) target(%dma_start3A_522 : memref<20x128xf32, #tpu.memory_space<vmem>>) offsets(%dma_start3A_523 : memref<20xi32, #tpu.memory_space<vmem>>) semaphore(%arg11 : memref<!tpu.dma_semaphore, #tpu.memory_space<semaphore_mem>>)
      %mul3A_527 = arith.constant 192 : i32
      %mul3A_528 = arith.muli %add3A_515, %mul3A_527 : i32
      %add3A_529 = arith.constant 24 : i32
      %add3A_530 = arith.addi %mul3A_528, %add3A_529 : i32
      %dma_start3A_531 = arith.constant 0 : i32
      %dma_start3A_532 = arith.constant 128 : i32
      %dma_start3A_533 = tpu.memref_slice %arg7[%dma_start3A_531, %dma_start3A_532] : memref<20x1000xf32, #tpu.memory_space<vmem>> -> memref<20x128xf32, #tpu.memory_space<vmem>>
      %dma_start3A_534 = tpu.memref_slice %arg6[%add3A_530] : memref<24576xi32, #tpu.memory_space<vmem>> -> memref<20xi32, #tpu.memory_space<vmem>>
      %dma_start3A_535 = arith.constant 0 : i32
      %dma_start3A_536 = arith.constant 0 : i32
      %dma_start3A_537 = tpu.memref_slice %arg3[%dma_start3A_535, %dma_start3A_536] : memref<8000x128xf32, #tpu.memory_space<hbm>> -> memref<8000x128xf32, #tpu.memory_space<hbm>>
      tpu.enqueue_indirect_dma source(%dma_start3A_537 : memref<8000x128xf32, #tpu.memory_space<hbm>>) target(%dma_start3A_533 : memref<20x128xf32, #tpu.memory_space<vmem>>) offsets(%dma_start3A_534 : memref<20xi32, #tpu.memory_space<vmem>>) semaphore(%arg11 : memref<!tpu.dma_semaphore, #tpu.memory_space<semaphore_mem>>)
      %mul3A_538 = arith.constant 192 : i32
      %mul3A_539 = arith.muli %add3A_515, %mul3A_538 : i32
      %add3A_540 = arith.constant 48 : i32
      %add3A_541 = arith.addi %mul3A_539, %add3A_540 : i32
      %dma_start3A_542 = arith.constant 0 : i32
      %dma_start3A_543 = arith.constant 256 : i32
      %dma_start3A_544 = tpu.memref_slice %arg7[%dma_start3A_542, %dma_start3A_543] : memref<20x1000xf32, #tpu.memory_space<vmem>> -> memref<20x128xf32, #tpu.memory_space<vmem>>
      %dma_start3A_545 = tpu.memref_slice %arg6[%add3A_541] : memref<24576xi32, #tpu.memory_space<vmem>> -> memref<20xi32, #tpu.memory_space<vmem>>
      %dma_start3A_546 = arith.constant 0 : i32
      %dma_start3A_547 = arith.constant 0 : i32
      %dma_start3A_548 = tpu.memref_slice %arg3[%dma_start3A_546, %dma_start3A_547] : memref<8000x128xf32, #tpu.memory_space<hbm>> -> memref<8000x128xf32, #tpu.memory_space<hbm>>
      tpu.enqueue_indirect_dma source(%dma_start3A_548 : memref<8000x128xf32, #tpu.memory_space<hbm>>) target(%dma_start3A_544 : memref<20x128xf32, #tpu.memory_space<vmem>>) offsets(%dma_start3A_545 : memref<20xi32, #tpu.memory_space<vmem>>) semaphore(%arg11 : memref<!tpu.dma_semaphore, #tpu.memory_space<semaphore_mem>>)
      %mul3A_549 = arith.constant 192 : i32
      %mul3A_550 = arith.muli %add3A_515, %mul3A_549 : i32
      %add3A_551 = arith.constant 72 : i32
      %add3A_552 = arith.addi %mul3A_550, %add3A_551 : i32
      %dma_start3A_553 = arith.constant 0 : i32
      %dma_start3A_554 = arith.constant 384 : i32
      %dma_start3A_555 = tpu.memref_slice %arg7[%dma_start3A_553, %dma_start3A_554] : memref<20x1000xf32, #tpu.memory_space<vmem>> -> memref<20x128xf32, #tpu.memory_space<vmem>>
      %dma_start3A_556 = tpu.memref_slice %arg6[%add3A_552] : memref<24576xi32, #tpu.memory_space<vmem>> -> memref<20xi32, #tpu.memory_space<vmem>>
      %dma_start3A_557 = arith.constant 0 : i32
      %dma_start3A_558 = arith.constant 0 : i32
      %dma_start3A_559 = tpu.memref_slice %arg3[%dma_start3A_557, %dma_start3A_558] : memref<8000x128xf32, #tpu.memory_space<hbm>> -> memref<8000x128xf32, #tpu.memory_space<hbm>>
      tpu.enqueue_indirect_dma source(%dma_start3A_559 : memref<8000x128xf32, #tpu.memory_space<hbm>>) target(%dma_start3A_555 : memref<20x128xf32, #tpu.memory_space<vmem>>) offsets(%dma_start3A_556 : memref<20xi32, #tpu.memory_space<vmem>>) semaphore(%arg11 : memref<!tpu.dma_semaphore, #tpu.memory_space<semaphore_mem>>)
      %mul3A_560 = arith.constant 192 : i32
      %mul3A_561 = arith.muli %add3A_515, %mul3A_560 : i32
      %add3A_562 = arith.constant 96 : i32
      %add3A_563 = arith.addi %mul3A_561, %add3A_562 : i32
      %dma_start3A_564 = arith.constant 0 : i32
      %dma_start3A_565 = arith.constant 512 : i32
      %dma_start3A_566 = tpu.memref_slice %arg7[%dma_start3A_564, %dma_start3A_565] : memref<20x1000xf32, #tpu.memory_space<vmem>> -> memref<20x128xf32, #tpu.memory_space<vmem>>
      %dma_start3A_567 = tpu.memref_slice %arg6[%add3A_563] : memref<24576xi32, #tpu.memory_space<vmem>> -> memref<20xi32, #tpu.memory_space<vmem>>
      %dma_start3A_568 = arith.constant 0 : i32
      %dma_start3A_569 = arith.constant 0 : i32
      %dma_start3A_570 = tpu.memref_slice %arg3[%dma_start3A_568, %dma_start3A_569] : memref<8000x128xf32, #tpu.memory_space<hbm>> -> memref<8000x128xf32, #tpu.memory_space<hbm>>
      tpu.enqueue_indirect_dma source(%dma_start3A_570 : memref<8000x128xf32, #tpu.memory_space<hbm>>) target(%dma_start3A_566 : memref<20x128xf32, #tpu.memory_space<vmem>>) offsets(%dma_start3A_567 : memref<20xi32, #tpu.memory_space<vmem>>) semaphore(%arg11 : memref<!tpu.dma_semaphore, #tpu.memory_space<semaphore_mem>>)
      %mul3A_571 = arith.constant 192 : i32
      %mul3A_572 = arith.muli %add3A_515, %mul3A_571 : i32
      %add3A_573 = arith.constant 120 : i32
      %add3A_574 = arith.addi %mul3A_572, %add3A_573 : i32
      %dma_start3A_575 = arith.constant 0 : i32
      %dma_start3A_576 = arith.constant 640 : i32
      %dma_start3A_577 = tpu.memref_slice %arg7[%dma_start3A_575, %dma_start3A_576] : memref<20x1000xf32, #tpu.memory_space<vmem>> -> memref<20x128xf32, #tpu.memory_space<vmem>>
      %dma_start3A_578 = tpu.memref_slice %arg6[%add3A_574] : memref<24576xi32, #tpu.memory_space<vmem>> -> memref<20xi32, #tpu.memory_space<vmem>>
      %dma_start3A_579 = arith.constant 0 : i32
      %dma_start3A_580 = arith.constant 0 : i32
      %dma_start3A_581 = tpu.memref_slice %arg3[%dma_start3A_579, %dma_start3A_580] : memref<8000x128xf32, #tpu.memory_space<hbm>> -> memref<8000x128xf32, #tpu.memory_space<hbm>>
      tpu.enqueue_indirect_dma source(%dma_start3A_581 : memref<8000x128xf32, #tpu.memory_space<hbm>>) target(%dma_start3A_577 : memref<20x128xf32, #tpu.memory_space<vmem>>) offsets(%dma_start3A_578 : memref<20xi32, #tpu.memory_space<vmem>>) semaphore(%arg11 : memref<!tpu.dma_semaphore, #tpu.memory_space<semaphore_mem>>)
      %mul3A_582 = arith.constant 192 : i32
      %mul3A_583 = arith.muli %add3A_515, %mul3A_582 : i32
      %add3A_584 = arith.constant 144 : i32
      %add3A_585 = arith.addi %mul3A_583, %add3A_584 : i32
      %dma_start3A_586 = arith.constant 0 : i32
      %dma_start3A_587 = arith.constant 768 : i32
      %dma_start3A_588 = tpu.memref_slice %arg7[%dma_start3A_586, %dma_start3A_587] : memref<20x1000xf32, #tpu.memory_space<vmem>> -> memref<20x128xf32, #tpu.memory_space<vmem>>
      %dma_start3A_589 = tpu.memref_slice %arg6[%add3A_585] : memref<24576xi32, #tpu.memory_space<vmem>> -> memref<20xi32, #tpu.memory_space<vmem>>
      %dma_start3A_590 = arith.constant 0 : i32
      %dma_start3A_591 = arith.constant 0 : i32
      %dma_start3A_592 = tpu.memref_slice %arg3[%dma_start3A_590, %dma_start3A_591] : memref<8000x128xf32, #tpu.memory_space<hbm>> -> memref<8000x128xf32, #tpu.memory_space<hbm>>
      tpu.enqueue_indirect_dma source(%dma_start3A_592 : memref<8000x128xf32, #tpu.memory_space<hbm>>) target(%dma_start3A_588 : memref<20x128xf32, #tpu.memory_space<vmem>>) offsets(%dma_start3A_589 : memref<20xi32, #tpu.memory_space<vmem>>) semaphore(%arg11 : memref<!tpu.dma_semaphore, #tpu.memory_space<semaphore_mem>>)
      %mul3A_593 = arith.constant 192 : i32
      %mul3A_594 = arith.muli %add3A_515, %mul3A_593 : i32
      %add3A_595 = arith.constant 168 : i32
      %add3A_596 = arith.addi %mul3A_594, %add3A_595 : i32
      %dma_start3A_597 = tpu.memref_slice %arg6[%add3A_596] : memref<24576xi32, #tpu.memory_space<vmem>> -> memref<20xi32, #tpu.memory_space<vmem>>
      %dma_start3A_598 = arith.constant 0 : i32
      %dma_start3A_599 = arith.constant 0 : i32
      %dma_start3A_600 = tpu.memref_slice %arg3[%dma_start3A_598, %dma_start3A_599] : memref<8000x128xf32, #tpu.memory_space<hbm>> -> memref<8000x128xf32, #tpu.memory_space<hbm>>
      tpu.enqueue_indirect_dma source(%dma_start3A_600 : memref<8000x128xf32, #tpu.memory_space<hbm>>) target(%arg9 : memref<20x128xf32, #tpu.memory_space<vmem>>) offsets(%dma_start3A_597 : memref<20xi32, #tpu.memory_space<vmem>>) semaphore(%arg11 : memref<!tpu.dma_semaphore, #tpu.memory_space<semaphore_mem>>)
      %add3A_601 = arith.constant 1 : i32
      %add3A_602 = arith.addi %add3A_335, %add3A_601 : i32
      %add3A_603 = arith.addi %mul3A_2, %add3A_602 : i32
      %dma_wait3A_604 = arith.constant 0 : i32
      %dma_wait3A_605 = arith.constant 0 : i32
      %dma_wait3A_606 = tpu.memref_slice %arg4[%add3A_603, %dma_wait3A_604, %dma_wait3A_605] : memref<4096x20x1000xf32, #tpu.memory_space<hbm>> -> memref<1x20x1000xf32, #tpu.memory_space<hbm>>
      %dma_wait3A_607 = tpu.memref_squeeze %dma_wait3A_606 : memref<1x20x1000xf32, #tpu.memory_space<hbm>> -> memref<20x1000xf32, #tpu.memory_space<hbm>>
      %dma_wait3A_608 = arith.constant 0 : i32
      %dma_wait3A_609 = arith.constant 0 : i32
      %dma_wait3A_610 = tpu.memref_slice %arg4[%add3A_603, %dma_wait3A_608, %dma_wait3A_609] : memref<4096x20x1000xf32, #tpu.memory_space<hbm>> -> memref<1x20x1000xf32, #tpu.memory_space<hbm>>
      %dma_wait3A_611 = tpu.memref_squeeze %dma_wait3A_610 : memref<1x20x1000xf32, #tpu.memory_space<hbm>> -> memref<20x1000xf32, #tpu.memory_space<hbm>>
      tpu.wait_dma2 semaphore(%arg14 : memref<!tpu.dma_semaphore, #tpu.memory_space<semaphore_mem>>) src(%arg8 : memref<20x1000xf32, #tpu.memory_space<vmem>>) dst(%dma_wait3A_611 : memref<20x1000xf32, #tpu.memory_space<hbm>>)
      %add3A_612 = arith.addi %mul3A_2, %add3A_602 : i32
      %dma_wait3A_613 = arith.constant 0 : i32
      %dma_wait3A_614 = arith.constant 0 : i32
      %dma_wait3A_615 = tpu.memref_slice %arg5[%add3A_612, %dma_wait3A_613, %dma_wait3A_614] : memref<4096x20x128xf32, #tpu.memory_space<hbm>> -> memref<1x20x128xf32, #tpu.memory_space<hbm>>
      %dma_wait3A_616 = tpu.memref_squeeze %dma_wait3A_615 : memref<1x20x128xf32, #tpu.memory_space<hbm>> -> memref<20x128xf32, #tpu.memory_space<hbm>>
      %dma_wait3A_617 = arith.constant 0 : i32
      %dma_wait3A_618 = arith.constant 0 : i32
      %dma_wait3A_619 = tpu.memref_slice %arg5[%add3A_612, %dma_wait3A_617, %dma_wait3A_618] : memref<4096x20x128xf32, #tpu.memory_space<hbm>> -> memref<1x20x128xf32, #tpu.memory_space<hbm>>
      %dma_wait3A_620 = tpu.memref_squeeze %dma_wait3A_619 : memref<1x20x128xf32, #tpu.memory_space<hbm>> -> memref<20x128xf32, #tpu.memory_space<hbm>>
      tpu.wait_dma2 semaphore(%arg16 : memref<!tpu.dma_semaphore, #tpu.memory_space<semaphore_mem>>) src(%arg10 : memref<20x128xf32, #tpu.memory_space<vmem>>) dst(%dma_wait3A_620 : memref<20x128xf32, #tpu.memory_space<hbm>>)
      %add3A_621 = arith.constant 3 : i32
      %add3A_622 = arith.addi %add3A_335, %add3A_621 : i32
      %mul3A_623 = arith.constant 192 : i32
      %mul3A_624 = arith.muli %add3A_622, %mul3A_623 : i32
      %add3A_625 = arith.constant 0 : i32
      %add3A_626 = arith.addi %mul3A_624, %add3A_625 : i32
      %dma_start3A_627 = arith.constant 0 : i32
      %dma_start3A_628 = arith.constant 0 : i32
      %dma_start3A_629 = tpu.memref_slice %arg8[%dma_start3A_627, %dma_start3A_628] : memref<20x1000xf32, #tpu.memory_space<vmem>> -> memref<20x128xf32, #tpu.memory_space<vmem>>
      %dma_start3A_630 = tpu.memref_slice %arg6[%add3A_626] : memref<24576xi32, #tpu.memory_space<vmem>> -> memref<20xi32, #tpu.memory_space<vmem>>
      %dma_start3A_631 = arith.constant 0 : i32
      %dma_start3A_632 = arith.constant 0 : i32
      %dma_start3A_633 = tpu.memref_slice %arg3[%dma_start3A_631, %dma_start3A_632] : memref<8000x128xf32, #tpu.memory_space<hbm>> -> memref<8000x128xf32, #tpu.memory_space<hbm>>
      tpu.enqueue_indirect_dma source(%dma_start3A_633 : memref<8000x128xf32, #tpu.memory_space<hbm>>) target(%dma_start3A_629 : memref<20x128xf32, #tpu.memory_space<vmem>>) offsets(%dma_start3A_630 : memref<20xi32, #tpu.memory_space<vmem>>) semaphore(%arg12 : memref<!tpu.dma_semaphore, #tpu.memory_space<semaphore_mem>>)
      %mul3A_634 = arith.constant 192 : i32
      %mul3A_635 = arith.muli %add3A_622, %mul3A_634 : i32
      %add3A_636 = arith.constant 24 : i32
      %add3A_637 = arith.addi %mul3A_635, %add3A_636 : i32
      %dma_start3A_638 = arith.constant 0 : i32
      %dma_start3A_639 = arith.constant 128 : i32
      %dma_start3A_640 = tpu.memref_slice %arg8[%dma_start3A_638, %dma_start3A_639] : memref<20x1000xf32, #tpu.memory_space<vmem>> -> memref<20x128xf32, #tpu.memory_space<vmem>>
      %dma_start3A_641 = tpu.memref_slice %arg6[%add3A_637] : memref<24576xi32, #tpu.memory_space<vmem>> -> memref<20xi32, #tpu.memory_space<vmem>>
      %dma_start3A_642 = arith.constant 0 : i32
      %dma_start3A_643 = arith.constant 0 : i32
      %dma_start3A_644 = tpu.memref_slice %arg3[%dma_start3A_642, %dma_start3A_643] : memref<8000x128xf32, #tpu.memory_space<hbm>> -> memref<8000x128xf32, #tpu.memory_space<hbm>>
      tpu.enqueue_indirect_dma source(%dma_start3A_644 : memref<8000x128xf32, #tpu.memory_space<hbm>>) target(%dma_start3A_640 : memref<20x128xf32, #tpu.memory_space<vmem>>) offsets(%dma_start3A_641 : memref<20xi32, #tpu.memory_space<vmem>>) semaphore(%arg12 : memref<!tpu.dma_semaphore, #tpu.memory_space<semaphore_mem>>)
      %mul3A_645 = arith.constant 192 : i32
      %mul3A_646 = arith.muli %add3A_622, %mul3A_645 : i32
      %add3A_647 = arith.constant 48 : i32
      %add3A_648 = arith.addi %mul3A_646, %add3A_647 : i32
      %dma_start3A_649 = arith.constant 0 : i32
      %dma_start3A_650 = arith.constant 256 : i32
      %dma_start3A_651 = tpu.memref_slice %arg8[%dma_start3A_649, %dma_start3A_650] : memref<20x1000xf32, #tpu.memory_space<vmem>> -> memref<20x128xf32, #tpu.memory_space<vmem>>
      %dma_start3A_652 = tpu.memref_slice %arg6[%add3A_648] : memref<24576xi32, #tpu.memory_space<vmem>> -> memref<20xi32, #tpu.memory_space<vmem>>
      %dma_start3A_653 = arith.constant 0 : i32
      %dma_start3A_654 = arith.constant 0 : i32
      %dma_start3A_655 = tpu.memref_slice %arg3[%dma_start3A_653, %dma_start3A_654] : memref<8000x128xf32, #tpu.memory_space<hbm>> -> memref<8000x128xf32, #tpu.memory_space<hbm>>
      tpu.enqueue_indirect_dma source(%dma_start3A_655 : memref<8000x128xf32, #tpu.memory_space<hbm>>) target(%dma_start3A_651 : memref<20x128xf32, #tpu.memory_space<vmem>>) offsets(%dma_start3A_652 : memref<20xi32, #tpu.memory_space<vmem>>) semaphore(%arg12 : memref<!tpu.dma_semaphore, #tpu.memory_space<semaphore_mem>>)
      %mul3A_656 = arith.constant 192 : i32
      %mul3A_657 = arith.muli %add3A_622, %mul3A_656 : i32
      %add3A_658 = arith.constant 72 : i32
      %add3A_659 = arith.addi %mul3A_657, %add3A_658 : i32
      %dma_start3A_660 = arith.constant 0 : i32
      %dma_start3A_661 = arith.constant 384 : i32
      %dma_start3A_662 = tpu.memref_slice %arg8[%dma_start3A_660, %dma_start3A_661] : memref<20x1000xf32, #tpu.memory_space<vmem>> -> memref<20x128xf32, #tpu.memory_space<vmem>>
      %dma_start3A_663 = tpu.memref_slice %arg6[%add3A_659] : memref<24576xi32, #tpu.memory_space<vmem>> -> memref<20xi32, #tpu.memory_space<vmem>>
      %dma_start3A_664 = arith.constant 0 : i32
      %dma_start3A_665 = arith.constant 0 : i32
      %dma_start3A_666 = tpu.memref_slice %arg3[%dma_start3A_664, %dma_start3A_665] : memref<8000x128xf32, #tpu.memory_space<hbm>> -> memref<8000x128xf32, #tpu.memory_space<hbm>>
      tpu.enqueue_indirect_dma source(%dma_start3A_666 : memref<8000x128xf32, #tpu.memory_space<hbm>>) target(%dma_start3A_662 : memref<20x128xf32, #tpu.memory_space<vmem>>) offsets(%dma_start3A_663 : memref<20xi32, #tpu.memory_space<vmem>>) semaphore(%arg12 : memref<!tpu.dma_semaphore, #tpu.memory_space<semaphore_mem>>)
      %mul3A_667 = arith.constant 192 : i32
      %mul3A_668 = arith.muli %add3A_622, %mul3A_667 : i32
      %add3A_669 = arith.constant 96 : i32
      %add3A_670 = arith.addi %mul3A_668, %add3A_669 : i32
      %dma_start3A_671 = arith.constant 0 : i32
      %dma_start3A_672 = arith.constant 512 : i32
      %dma_start3A_673 = tpu.memref_slice %arg8[%dma_start3A_671, %dma_start3A_672] : memref<20x1000xf32, #tpu.memory_space<vmem>> -> memref<20x128xf32, #tpu.memory_space<vmem>>
      %dma_start3A_674 = tpu.memref_slice %arg6[%add3A_670] : memref<24576xi32, #tpu.memory_space<vmem>> -> memref<20xi32, #tpu.memory_space<vmem>>
      %dma_start3A_675 = arith.constant 0 : i32
      %dma_start3A_676 = arith.constant 0 : i32
      %dma_start3A_677 = tpu.memref_slice %arg3[%dma_start3A_675, %dma_start3A_676] : memref<8000x128xf32, #tpu.memory_space<hbm>> -> memref<8000x128xf32, #tpu.memory_space<hbm>>
      tpu.enqueue_indirect_dma source(%dma_start3A_677 : memref<8000x128xf32, #tpu.memory_space<hbm>>) target(%dma_start3A_673 : memref<20x128xf32, #tpu.memory_space<vmem>>) offsets(%dma_start3A_674 : memref<20xi32, #tpu.memory_space<vmem>>) semaphore(%arg12 : memref<!tpu.dma_semaphore, #tpu.memory_space<semaphore_mem>>)
      %mul3A_678 = arith.constant 192 : i32
      %mul3A_679 = arith.muli %add3A_622, %mul3A_678 : i32
      %add3A_680 = arith.constant 120 : i32
      %add3A_681 = arith.addi %mul3A_679, %add3A_680 : i32
      %dma_start3A_682 = arith.constant 0 : i32
      %dma_start3A_683 = arith.constant 640 : i32
      %dma_start3A_684 = tpu.memref_slice %arg8[%dma_start3A_682, %dma_start3A_683] : memref<20x1000xf32, #tpu.memory_space<vmem>> -> memref<20x128xf32, #tpu.memory_space<vmem>>
      %dma_start3A_685 = tpu.memref_slice %arg6[%add3A_681] : memref<24576xi32, #tpu.memory_space<vmem>> -> memref<20xi32, #tpu.memory_space<vmem>>
      %dma_start3A_686 = arith.constant 0 : i32
      %dma_start3A_687 = arith.constant 0 : i32
      %dma_start3A_688 = tpu.memref_slice %arg3[%dma_start3A_686, %dma_start3A_687] : memref<8000x128xf32, #tpu.memory_space<hbm>> -> memref<8000x128xf32, #tpu.memory_space<hbm>>
      tpu.enqueue_indirect_dma source(%dma_start3A_688 : memref<8000x128xf32, #tpu.memory_space<hbm>>) target(%dma_start3A_684 : memref<20x128xf32, #tpu.memory_space<vmem>>) offsets(%dma_start3A_685 : memref<20xi32, #tpu.memory_space<vmem>>) semaphore(%arg12 : memref<!tpu.dma_semaphore, #tpu.memory_space<semaphore_mem>>)
      %mul3A_689 = arith.constant 192 : i32
      %mul3A_690 = arith.muli %add3A_622, %mul3A_689 : i32
      %add3A_691 = arith.constant 144 : i32
      %add3A_692 = arith.addi %mul3A_690, %add3A_691 : i32
      %dma_start3A_693 = arith.constant 0 : i32
      %dma_start3A_694 = arith.constant 768 : i32
      %dma_start3A_695 = tpu.memref_slice %arg8[%dma_start3A_693, %dma_start3A_694] : memref<20x1000xf32, #tpu.memory_space<vmem>> -> memref<20x128xf32, #tpu.memory_space<vmem>>
      %dma_start3A_696 = tpu.memref_slice %arg6[%add3A_692] : memref<24576xi32, #tpu.memory_space<vmem>> -> memref<20xi32, #tpu.memory_space<vmem>>
      %dma_start3A_697 = arith.constant 0 : i32
      %dma_start3A_698 = arith.constant 0 : i32
      %dma_start3A_699 = tpu.memref_slice %arg3[%dma_start3A_697, %dma_start3A_698] : memref<8000x128xf32, #tpu.memory_space<hbm>> -> memref<8000x128xf32, #tpu.memory_space<hbm>>
      tpu.enqueue_indirect_dma source(%dma_start3A_699 : memref<8000x128xf32, #tpu.memory_space<hbm>>) target(%dma_start3A_695 : memref<20x128xf32, #tpu.memory_space<vmem>>) offsets(%dma_start3A_696 : memref<20xi32, #tpu.memory_space<vmem>>) semaphore(%arg12 : memref<!tpu.dma_semaphore, #tpu.memory_space<semaphore_mem>>)
      %mul3A_700 = arith.constant 192 : i32
      %mul3A_701 = arith.muli %add3A_622, %mul3A_700 : i32
      %add3A_702 = arith.constant 168 : i32
      %add3A_703 = arith.addi %mul3A_701, %add3A_702 : i32
      %dma_start3A_704 = tpu.memref_slice %arg6[%add3A_703] : memref<24576xi32, #tpu.memory_space<vmem>> -> memref<20xi32, #tpu.memory_space<vmem>>
      %dma_start3A_705 = arith.constant 0 : i32
      %dma_start3A_706 = arith.constant 0 : i32
      %dma_start3A_707 = tpu.memref_slice %arg3[%dma_start3A_705, %dma_start3A_706] : memref<8000x128xf32, #tpu.memory_space<hbm>> -> memref<8000x128xf32, #tpu.memory_space<hbm>>
      tpu.enqueue_indirect_dma source(%dma_start3A_707 : memref<8000x128xf32, #tpu.memory_space<hbm>>) target(%arg10 : memref<20x128xf32, #tpu.memory_space<vmem>>) offsets(%dma_start3A_704 : memref<20xi32, #tpu.memory_space<vmem>>) semaphore(%arg12 : memref<!tpu.dma_semaphore, #tpu.memory_space<semaphore_mem>>)
    }
    %scan3A_129 = arith.constant 63 : i32
    %dma_wait3A = arith.constant 0 : i32
    %dma_wait3A_130 = arith.constant 0 : i32
    %dma_wait3A_131 = tpu.memref_slice %arg7[%dma_wait3A, %dma_wait3A_130] : memref<20x1000xf32, #tpu.memory_space<vmem>> -> memref<20x128xf32, #tpu.memory_space<vmem>>
    %dma_wait3A_132 = arith.constant 0 : i32
    %dma_wait3A_133 = tpu.memref_slice %arg6[%dma_wait3A_132] : memref<24576xi32, #tpu.memory_space<vmem>> -> memref<20xi32, #tpu.memory_space<vmem>>
    %dma_wait3A_134 = arith.constant 0 : i32
    %dma_wait3A_135 = arith.constant 0 : i32
    %dma_wait3A_136 = tpu.memref_slice %arg3[%dma_wait3A_134, %dma_wait3A_135] : memref<8000x128xf32, #tpu.memory_space<hbm>> -> memref<8000x128xf32, #tpu.memory_space<hbm>>
    tpu.wait_indirect_dma semaphore(%arg11 : memref<!tpu.dma_semaphore, #tpu.memory_space<semaphore_mem>>) src(%dma_wait3A_136 : memref<8000x128xf32, #tpu.memory_space<hbm>>) dst(%dma_wait3A_131 : memref<20x128xf32, #tpu.memory_space<vmem>>)
    %dma_wait3A_137 = arith.constant 0 : i32
    %dma_wait3A_138 = arith.constant 128 : i32
    %dma_wait3A_139 = tpu.memref_slice %arg7[%dma_wait3A_137, %dma_wait3A_138] : memref<20x1000xf32, #tpu.memory_space<vmem>> -> memref<20x128xf32, #tpu.memory_space<vmem>>
    %dma_wait3A_140 = arith.constant 0 : i32
    %dma_wait3A_141 = tpu.memref_slice %arg6[%dma_wait3A_140] : memref<24576xi32, #tpu.memory_space<vmem>> -> memref<20xi32, #tpu.memory_space<vmem>>
    %dma_wait3A_142 = arith.constant 0 : i32
    %dma_wait3A_143 = arith.constant 0 : i32
    %dma_wait3A_144 = tpu.memref_slice %arg3[%dma_wait3A_142, %dma_wait3A_143] : memref<8000x128xf32, #tpu.memory_space<hbm>> -> memref<8000x128xf32, #tpu.memory_space<hbm>>
    tpu.wait_indirect_dma semaphore(%arg11 : memref<!tpu.dma_semaphore, #tpu.memory_space<semaphore_mem>>) src(%dma_wait3A_144 : memref<8000x128xf32, #tpu.memory_space<hbm>>) dst(%dma_wait3A_139 : memref<20x128xf32, #tpu.memory_space<vmem>>)
    %dma_wait3A_145 = arith.constant 0 : i32
    %dma_wait3A_146 = arith.constant 256 : i32
    %dma_wait3A_147 = tpu.memref_slice %arg7[%dma_wait3A_145, %dma_wait3A_146] : memref<20x1000xf32, #tpu.memory_space<vmem>> -> memref<20x128xf32, #tpu.memory_space<vmem>>
    %dma_wait3A_148 = arith.constant 0 : i32
    %dma_wait3A_149 = tpu.memref_slice %arg6[%dma_wait3A_148] : memref<24576xi32, #tpu.memory_space<vmem>> -> memref<20xi32, #tpu.memory_space<vmem>>
    %dma_wait3A_150 = arith.constant 0 : i32
    %dma_wait3A_151 = arith.constant 0 : i32
    %dma_wait3A_152 = tpu.memref_slice %arg3[%dma_wait3A_150, %dma_wait3A_151] : memref<8000x128xf32, #tpu.memory_space<hbm>> -> memref<8000x128xf32, #tpu.memory_space<hbm>>
    tpu.wait_indirect_dma semaphore(%arg11 : memref<!tpu.dma_semaphore, #tpu.memory_space<semaphore_mem>>) src(%dma_wait3A_152 : memref<8000x128xf32, #tpu.memory_space<hbm>>) dst(%dma_wait3A_147 : memref<20x128xf32, #tpu.memory_space<vmem>>)
    %dma_wait3A_153 = arith.constant 0 : i32
    %dma_wait3A_154 = arith.constant 384 : i32
    %dma_wait3A_155 = tpu.memref_slice %arg7[%dma_wait3A_153, %dma_wait3A_154] : memref<20x1000xf32, #tpu.memory_space<vmem>> -> memref<20x128xf32, #tpu.memory_space<vmem>>
    %dma_wait3A_156 = arith.constant 0 : i32
    %dma_wait3A_157 = tpu.memref_slice %arg6[%dma_wait3A_156] : memref<24576xi32, #tpu.memory_space<vmem>> -> memref<20xi32, #tpu.memory_space<vmem>>
    %dma_wait3A_158 = arith.constant 0 : i32
    %dma_wait3A_159 = arith.constant 0 : i32
    %dma_wait3A_160 = tpu.memref_slice %arg3[%dma_wait3A_158, %dma_wait3A_159] : memref<8000x128xf32, #tpu.memory_space<hbm>> -> memref<8000x128xf32, #tpu.memory_space<hbm>>
    tpu.wait_indirect_dma semaphore(%arg11 : memref<!tpu.dma_semaphore, #tpu.memory_space<semaphore_mem>>) src(%dma_wait3A_160 : memref<8000x128xf32, #tpu.memory_space<hbm>>) dst(%dma_wait3A_155 : memref<20x128xf32, #tpu.memory_space<vmem>>)
    %dma_wait3A_161 = arith.constant 0 : i32
    %dma_wait3A_162 = arith.constant 512 : i32
    %dma_wait3A_163 = tpu.memref_slice %arg7[%dma_wait3A_161, %dma_wait3A_162] : memref<20x1000xf32, #tpu.memory_space<vmem>> -> memref<20x128xf32, #tpu.memory_space<vmem>>
    %dma_wait3A_164 = arith.constant 0 : i32
    %dma_wait3A_165 = tpu.memref_slice %arg6[%dma_wait3A_164] : memref<24576xi32, #tpu.memory_space<vmem>> -> memref<20xi32, #tpu.memory_space<vmem>>
    %dma_wait3A_166 = arith.constant 0 : i32
    %dma_wait3A_167 = arith.constant 0 : i32
    %dma_wait3A_168 = tpu.memref_slice %arg3[%dma_wait3A_166, %dma_wait3A_167] : memref<8000x128xf32, #tpu.memory_space<hbm>> -> memref<8000x128xf32, #tpu.memory_space<hbm>>
    tpu.wait_indirect_dma semaphore(%arg11 : memref<!tpu.dma_semaphore, #tpu.memory_space<semaphore_mem>>) src(%dma_wait3A_168 : memref<8000x128xf32, #tpu.memory_space<hbm>>) dst(%dma_wait3A_163 : memref<20x128xf32, #tpu.memory_space<vmem>>)
    %dma_wait3A_169 = arith.constant 0 : i32
    %dma_wait3A_170 = arith.constant 640 : i32
    %dma_wait3A_171 = tpu.memref_slice %arg7[%dma_wait3A_169, %dma_wait3A_170] : memref<20x1000xf32, #tpu.memory_space<vmem>> -> memref<20x128xf32, #tpu.memory_space<vmem>>
    %dma_wait3A_172 = arith.constant 0 : i32
    %dma_wait3A_173 = tpu.memref_slice %arg6[%dma_wait3A_172] : memref<24576xi32, #tpu.memory_space<vmem>> -> memref<20xi32, #tpu.memory_space<vmem>>
    %dma_wait3A_174 = arith.constant 0 : i32
    %dma_wait3A_175 = arith.constant 0 : i32
    %dma_wait3A_176 = tpu.memref_slice %arg3[%dma_wait3A_174, %dma_wait3A_175] : memref<8000x128xf32, #tpu.memory_space<hbm>> -> memref<8000x128xf32, #tpu.memory_space<hbm>>
    tpu.wait_indirect_dma semaphore(%arg11 : memref<!tpu.dma_semaphore, #tpu.memory_space<semaphore_mem>>) src(%dma_wait3A_176 : memref<8000x128xf32, #tpu.memory_space<hbm>>) dst(%dma_wait3A_171 : memref<20x128xf32, #tpu.memory_space<vmem>>)
    %dma_wait3A_177 = arith.constant 0 : i32
    %dma_wait3A_178 = arith.constant 768 : i32
    %dma_wait3A_179 = tpu.memref_slice %arg7[%dma_wait3A_177, %dma_wait3A_178] : memref<20x1000xf32, #tpu.memory_space<vmem>> -> memref<20x128xf32, #tpu.memory_space<vmem>>
    %dma_wait3A_180 = arith.constant 0 : i32
    %dma_wait3A_181 = tpu.memref_slice %arg6[%dma_wait3A_180] : memref<24576xi32, #tpu.memory_space<vmem>> -> memref<20xi32, #tpu.memory_space<vmem>>
    %dma_wait3A_182 = arith.constant 0 : i32
    %dma_wait3A_183 = arith.constant 0 : i32
    %dma_wait3A_184 = tpu.memref_slice %arg3[%dma_wait3A_182, %dma_wait3A_183] : memref<8000x128xf32, #tpu.memory_space<hbm>> -> memref<8000x128xf32, #tpu.memory_space<hbm>>
    tpu.wait_indirect_dma semaphore(%arg11 : memref<!tpu.dma_semaphore, #tpu.memory_space<semaphore_mem>>) src(%dma_wait3A_184 : memref<8000x128xf32, #tpu.memory_space<hbm>>) dst(%dma_wait3A_179 : memref<20x128xf32, #tpu.memory_space<vmem>>)
    %dma_wait3A_185 = arith.constant 0 : i32
    %dma_wait3A_186 = tpu.memref_slice %arg6[%dma_wait3A_185] : memref<24576xi32, #tpu.memory_space<vmem>> -> memref<20xi32, #tpu.memory_space<vmem>>
    %dma_wait3A_187 = arith.constant 0 : i32
    %dma_wait3A_188 = arith.constant 0 : i32
    %dma_wait3A_189 = tpu.memref_slice %arg3[%dma_wait3A_187, %dma_wait3A_188] : memref<8000x128xf32, #tpu.memory_space<hbm>> -> memref<8000x128xf32, #tpu.memory_space<hbm>>
    tpu.wait_indirect_dma semaphore(%arg11 : memref<!tpu.dma_semaphore, #tpu.memory_space<semaphore_mem>>) src(%dma_wait3A_189 : memref<8000x128xf32, #tpu.memory_space<hbm>>) dst(%arg9 : memref<20x128xf32, #tpu.memory_space<vmem>>)
    %add3A_190 = arith.constant 126 : i32
    %add3A_191 = arith.addi %mul3A_2, %add3A_190 : i32
    %dma_start3A_192 = arith.constant 0 : i32
    %dma_start3A_193 = arith.constant 0 : i32
    %dma_start3A_194 = tpu.memref_slice %arg4[%add3A_191, %dma_start3A_192, %dma_start3A_193] : memref<4096x20x1000xf32, #tpu.memory_space<hbm>> -> memref<1x20x1000xf32, #tpu.memory_space<hbm>>
    %dma_start3A_195 = tpu.memref_squeeze %dma_start3A_194 : memref<1x20x1000xf32, #tpu.memory_space<hbm>> -> memref<20x1000xf32, #tpu.memory_space<hbm>>
    %dma_start3A_196 = arith.constant 0 : i32
    %dma_start3A_197 = arith.constant 0 : i32
    %dma_start3A_198 = tpu.memref_slice %arg4[%add3A_191, %dma_start3A_196, %dma_start3A_197] : memref<4096x20x1000xf32, #tpu.memory_space<hbm>> -> memref<1x20x1000xf32, #tpu.memory_space<hbm>>
    %dma_start3A_199 = tpu.memref_squeeze %dma_start3A_198 : memref<1x20x1000xf32, #tpu.memory_space<hbm>> -> memref<20x1000xf32, #tpu.memory_space<hbm>>
    tpu.enqueue_dma source(%arg7 : memref<20x1000xf32, #tpu.memory_space<vmem>>) target(%dma_start3A_199 : memref<20x1000xf32, #tpu.memory_space<hbm>>) target_semaphore(%arg13 : memref<!tpu.dma_semaphore, #tpu.memory_space<semaphore_mem>>)
    %add3A_200 = arith.constant 126 : i32
    %add3A_201 = arith.addi %mul3A_2, %add3A_200 : i32
    %dma_start3A_202 = arith.constant 0 : i32
    %dma_start3A_203 = arith.constant 0 : i32
    %dma_start3A_204 = tpu.memref_slice %arg5[%add3A_201, %dma_start3A_202, %dma_start3A_203] : memref<4096x20x128xf32, #tpu.memory_space<hbm>> -> memref<1x20x128xf32, #tpu.memory_space<hbm>>
    %dma_start3A_205 = tpu.memref_squeeze %dma_start3A_204 : memref<1x20x128xf32, #tpu.memory_space<hbm>> -> memref<20x128xf32, #tpu.memory_space<hbm>>
    %dma_start3A_206 = arith.constant 0 : i32
    %dma_start3A_207 = arith.constant 0 : i32
    %dma_start3A_208 = tpu.memref_slice %arg5[%add3A_201, %dma_start3A_206, %dma_start3A_207] : memref<4096x20x128xf32, #tpu.memory_space<hbm>> -> memref<1x20x128xf32, #tpu.memory_space<hbm>>
    %dma_start3A_209 = tpu.memref_squeeze %dma_start3A_208 : memref<1x20x128xf32, #tpu.memory_space<hbm>> -> memref<20x128xf32, #tpu.memory_space<hbm>>
    tpu.enqueue_dma source(%arg9 : memref<20x128xf32, #tpu.memory_space<vmem>>) target(%dma_start3A_209 : memref<20x128xf32, #tpu.memory_space<hbm>>) target_semaphore(%arg15 : memref<!tpu.dma_semaphore, #tpu.memory_space<semaphore_mem>>)
    %dma_wait3A_210 = arith.constant 0 : i32
    %dma_wait3A_211 = arith.constant 0 : i32
    %dma_wait3A_212 = tpu.memref_slice %arg8[%dma_wait3A_210, %dma_wait3A_211] : memref<20x1000xf32, #tpu.memory_space<vmem>> -> memref<20x128xf32, #tpu.memory_space<vmem>>
    %dma_wait3A_213 = arith.constant 0 : i32
    %dma_wait3A_214 = tpu.memref_slice %arg6[%dma_wait3A_213] : memref<24576xi32, #tpu.memory_space<vmem>> -> memref<20xi32, #tpu.memory_space<vmem>>
    %dma_wait3A_215 = arith.constant 0 : i32
    %dma_wait3A_216 = arith.constant 0 : i32
    %dma_wait3A_217 = tpu.memref_slice %arg3[%dma_wait3A_215, %dma_wait3A_216] : memref<8000x128xf32, #tpu.memory_space<hbm>> -> memref<8000x128xf32, #tpu.memory_space<hbm>>
    tpu.wait_indirect_dma semaphore(%arg12 : memref<!tpu.dma_semaphore, #tpu.memory_space<semaphore_mem>>) src(%dma_wait3A_217 : memref<8000x128xf32, #tpu.memory_space<hbm>>) dst(%dma_wait3A_212 : memref<20x128xf32, #tpu.memory_space<vmem>>)
    %dma_wait3A_218 = arith.constant 0 : i32
    %dma_wait3A_219 = arith.constant 128 : i32
    %dma_wait3A_220 = tpu.memref_slice %arg8[%dma_wait3A_218, %dma_wait3A_219] : memref<20x1000xf32, #tpu.memory_space<vmem>> -> memref<20x128xf32, #tpu.memory_space<vmem>>
    %dma_wait3A_221 = arith.constant 0 : i32
    %dma_wait3A_222 = tpu.memref_slice %arg6[%dma_wait3A_221] : memref<24576xi32, #tpu.memory_space<vmem>> -> memref<20xi32, #tpu.memory_space<vmem>>
    %dma_wait3A_223 = arith.constant 0 : i32
    %dma_wait3A_224 = arith.constant 0 : i32
    %dma_wait3A_225 = tpu.memref_slice %arg3[%dma_wait3A_223, %dma_wait3A_224] : memref<8000x128xf32, #tpu.memory_space<hbm>> -> memref<8000x128xf32, #tpu.memory_space<hbm>>
    tpu.wait_indirect_dma semaphore(%arg12 : memref<!tpu.dma_semaphore, #tpu.memory_space<semaphore_mem>>) src(%dma_wait3A_225 : memref<8000x128xf32, #tpu.memory_space<hbm>>) dst(%dma_wait3A_220 : memref<20x128xf32, #tpu.memory_space<vmem>>)
    %dma_wait3A_226 = arith.constant 0 : i32
    %dma_wait3A_227 = arith.constant 256 : i32
    %dma_wait3A_228 = tpu.memref_slice %arg8[%dma_wait3A_226, %dma_wait3A_227] : memref<20x1000xf32, #tpu.memory_space<vmem>> -> memref<20x128xf32, #tpu.memory_space<vmem>>
    %dma_wait3A_229 = arith.constant 0 : i32
    %dma_wait3A_230 = tpu.memref_slice %arg6[%dma_wait3A_229] : memref<24576xi32, #tpu.memory_space<vmem>> -> memref<20xi32, #tpu.memory_space<vmem>>
    %dma_wait3A_231 = arith.constant 0 : i32
    %dma_wait3A_232 = arith.constant 0 : i32
    %dma_wait3A_233 = tpu.memref_slice %arg3[%dma_wait3A_231, %dma_wait3A_232] : memref<8000x128xf32, #tpu.memory_space<hbm>> -> memref<8000x128xf32, #tpu.memory_space<hbm>>
    tpu.wait_indirect_dma semaphore(%arg12 : memref<!tpu.dma_semaphore, #tpu.memory_space<semaphore_mem>>) src(%dma_wait3A_233 : memref<8000x128xf32, #tpu.memory_space<hbm>>) dst(%dma_wait3A_228 : memref<20x128xf32, #tpu.memory_space<vmem>>)
    %dma_wait3A_234 = arith.constant 0 : i32
    %dma_wait3A_235 = arith.constant 384 : i32
    %dma_wait3A_236 = tpu.memref_slice %arg8[%dma_wait3A_234, %dma_wait3A_235] : memref<20x1000xf32, #tpu.memory_space<vmem>> -> memref<20x128xf32, #tpu.memory_space<vmem>>
    %dma_wait3A_237 = arith.constant 0 : i32
    %dma_wait3A_238 = tpu.memref_slice %arg6[%dma_wait3A_237] : memref<24576xi32, #tpu.memory_space<vmem>> -> memref<20xi32, #tpu.memory_space<vmem>>
    %dma_wait3A_239 = arith.constant 0 : i32
    %dma_wait3A_240 = arith.constant 0 : i32
    %dma_wait3A_241 = tpu.memref_slice %arg3[%dma_wait3A_239, %dma_wait3A_240] : memref<8000x128xf32, #tpu.memory_space<hbm>> -> memref<8000x128xf32, #tpu.memory_space<hbm>>
    tpu.wait_indirect_dma semaphore(%arg12 : memref<!tpu.dma_semaphore, #tpu.memory_space<semaphore_mem>>) src(%dma_wait3A_241 : memref<8000x128xf32, #tpu.memory_space<hbm>>) dst(%dma_wait3A_236 : memref<20x128xf32, #tpu.memory_space<vmem>>)
    %dma_wait3A_242 = arith.constant 0 : i32
    %dma_wait3A_243 = arith.constant 512 : i32
    %dma_wait3A_244 = tpu.memref_slice %arg8[%dma_wait3A_242, %dma_wait3A_243] : memref<20x1000xf32, #tpu.memory_space<vmem>> -> memref<20x128xf32, #tpu.memory_space<vmem>>
    %dma_wait3A_245 = arith.constant 0 : i32
    %dma_wait3A_246 = tpu.memref_slice %arg6[%dma_wait3A_245] : memref<24576xi32, #tpu.memory_space<vmem>> -> memref<20xi32, #tpu.memory_space<vmem>>
    %dma_wait3A_247 = arith.constant 0 : i32
    %dma_wait3A_248 = arith.constant 0 : i32
    %dma_wait3A_249 = tpu.memref_slice %arg3[%dma_wait3A_247, %dma_wait3A_248] : memref<8000x128xf32, #tpu.memory_space<hbm>> -> memref<8000x128xf32, #tpu.memory_space<hbm>>
    tpu.wait_indirect_dma semaphore(%arg12 : memref<!tpu.dma_semaphore, #tpu.memory_space<semaphore_mem>>) src(%dma_wait3A_249 : memref<8000x128xf32, #tpu.memory_space<hbm>>) dst(%dma_wait3A_244 : memref<20x128xf32, #tpu.memory_space<vmem>>)
    %dma_wait3A_250 = arith.constant 0 : i32
    %dma_wait3A_251 = arith.constant 640 : i32
    %dma_wait3A_252 = tpu.memref_slice %arg8[%dma_wait3A_250, %dma_wait3A_251] : memref<20x1000xf32, #tpu.memory_space<vmem>> -> memref<20x128xf32, #tpu.memory_space<vmem>>
    %dma_wait3A_253 = arith.constant 0 : i32
    %dma_wait3A_254 = tpu.memref_slice %arg6[%dma_wait3A_253] : memref<24576xi32, #tpu.memory_space<vmem>> -> memref<20xi32, #tpu.memory_space<vmem>>
    %dma_wait3A_255 = arith.constant 0 : i32
    %dma_wait3A_256 = arith.constant 0 : i32
    %dma_wait3A_257 = tpu.memref_slice %arg3[%dma_wait3A_255, %dma_wait3A_256] : memref<8000x128xf32, #tpu.memory_space<hbm>> -> memref<8000x128xf32, #tpu.memory_space<hbm>>
    tpu.wait_indirect_dma semaphore(%arg12 : memref<!tpu.dma_semaphore, #tpu.memory_space<semaphore_mem>>) src(%dma_wait3A_257 : memref<8000x128xf32, #tpu.memory_space<hbm>>) dst(%dma_wait3A_252 : memref<20x128xf32, #tpu.memory_space<vmem>>)
    %dma_wait3A_258 = arith.constant 0 : i32
    %dma_wait3A_259 = arith.constant 768 : i32
    %dma_wait3A_260 = tpu.memref_slice %arg8[%dma_wait3A_258, %dma_wait3A_259] : memref<20x1000xf32, #tpu.memory_space<vmem>> -> memref<20x128xf32, #tpu.memory_space<vmem>>
    %dma_wait3A_261 = arith.constant 0 : i32
    %dma_wait3A_262 = tpu.memref_slice %arg6[%dma_wait3A_261] : memref<24576xi32, #tpu.memory_space<vmem>> -> memref<20xi32, #tpu.memory_space<vmem>>
    %dma_wait3A_263 = arith.constant 0 : i32
    %dma_wait3A_264 = arith.constant 0 : i32
    %dma_wait3A_265 = tpu.memref_slice %arg3[%dma_wait3A_263, %dma_wait3A_264] : memref<8000x128xf32, #tpu.memory_space<hbm>> -> memref<8000x128xf32, #tpu.memory_space<hbm>>
    tpu.wait_indirect_dma semaphore(%arg12 : memref<!tpu.dma_semaphore, #tpu.memory_space<semaphore_mem>>) src(%dma_wait3A_265 : memref<8000x128xf32, #tpu.memory_space<hbm>>) dst(%dma_wait3A_260 : memref<20x128xf32, #tpu.memory_space<vmem>>)
    %dma_wait3A_266 = arith.constant 0 : i32
    %dma_wait3A_267 = tpu.memref_slice %arg6[%dma_wait3A_266] : memref<24576xi32, #tpu.memory_space<vmem>> -> memref<20xi32, #tpu.memory_space<vmem>>
    %dma_wait3A_268 = arith.constant 0 : i32
    %dma_wait3A_269 = arith.constant 0 : i32
    %dma_wait3A_270 = tpu.memref_slice %arg3[%dma_wait3A_268, %dma_wait3A_269] : memref<8000x128xf32, #tpu.memory_space<hbm>> -> memref<8000x128xf32, #tpu.memory_space<hbm>>
    tpu.wait_indirect_dma semaphore(%arg12 : memref<!tpu.dma_semaphore, #tpu.memory_space<semaphore_mem>>) src(%dma_wait3A_270 : memref<8000x128xf32, #tpu.memory_space<hbm>>) dst(%arg10 : memref<20x128xf32, #tpu.memory_space<vmem>>)
    %add3A_271 = arith.constant 127 : i32
    %add3A_272 = arith.addi %mul3A_2, %add3A_271 : i32
    %dma_start3A_273 = arith.constant 0 : i32
    %dma_start3A_274 = arith.constant 0 : i32
    %dma_start3A_275 = tpu.memref_slice %arg4[%add3A_272, %dma_start3A_273, %dma_start3A_274] : memref<4096x20x1000xf32, #tpu.memory_space<hbm>> -> memref<1x20x1000xf32, #tpu.memory_space<hbm>>
    %dma_start3A_276 = tpu.memref_squeeze %dma_start3A_275 : memref<1x20x1000xf32, #tpu.memory_space<hbm>> -> memref<20x1000xf32, #tpu.memory_space<hbm>>
    %dma_start3A_277 = arith.constant 0 : i32
    %dma_start3A_278 = arith.constant 0 : i32
    %dma_start3A_279 = tpu.memref_slice %arg4[%add3A_272, %dma_start3A_277, %dma_start3A_278] : memref<4096x20x1000xf32, #tpu.memory_space<hbm>> -> memref<1x20x1000xf32, #tpu.memory_space<hbm>>
    %dma_start3A_280 = tpu.memref_squeeze %dma_start3A_279 : memref<1x20x1000xf32, #tpu.memory_space<hbm>> -> memref<20x1000xf32, #tpu.memory_space<hbm>>
    tpu.enqueue_dma source(%arg8 : memref<20x1000xf32, #tpu.memory_space<vmem>>) target(%dma_start3A_280 : memref<20x1000xf32, #tpu.memory_space<hbm>>) target_semaphore(%arg14 : memref<!tpu.dma_semaphore, #tpu.memory_space<semaphore_mem>>)
    %add3A_281 = arith.constant 127 : i32
    %add3A_282 = arith.addi %mul3A_2, %add3A_281 : i32
    %dma_start3A_283 = arith.constant 0 : i32
    %dma_start3A_284 = arith.constant 0 : i32
    %dma_start3A_285 = tpu.memref_slice %arg5[%add3A_282, %dma_start3A_283, %dma_start3A_284] : memref<4096x20x128xf32, #tpu.memory_space<hbm>> -> memref<1x20x128xf32, #tpu.memory_space<hbm>>
    %dma_start3A_286 = tpu.memref_squeeze %dma_start3A_285 : memref<1x20x128xf32, #tpu.memory_space<hbm>> -> memref<20x128xf32, #tpu.memory_space<hbm>>
    %dma_start3A_287 = arith.constant 0 : i32
    %dma_start3A_288 = arith.constant 0 : i32
    %dma_start3A_289 = tpu.memref_slice %arg5[%add3A_282, %dma_start3A_287, %dma_start3A_288] : memref<4096x20x128xf32, #tpu.memory_space<hbm>> -> memref<1x20x128xf32, #tpu.memory_space<hbm>>
    %dma_start3A_290 = tpu.memref_squeeze %dma_start3A_289 : memref<1x20x128xf32, #tpu.memory_space<hbm>> -> memref<20x128xf32, #tpu.memory_space<hbm>>
    tpu.enqueue_dma source(%arg10 : memref<20x128xf32, #tpu.memory_space<vmem>>) target(%dma_start3A_290 : memref<20x128xf32, #tpu.memory_space<hbm>>) target_semaphore(%arg16 : memref<!tpu.dma_semaphore, #tpu.memory_space<semaphore_mem>>)
    %add3A_291 = arith.constant 126 : i32
    %add3A_292 = arith.addi %mul3A_2, %add3A_291 : i32
    %dma_wait3A_293 = arith.constant 0 : i32
    %dma_wait3A_294 = arith.constant 0 : i32
    %dma_wait3A_295 = tpu.memref_slice %arg4[%add3A_292, %dma_wait3A_293, %dma_wait3A_294] : memref<4096x20x1000xf32, #tpu.memory_space<hbm>> -> memref<1x20x1000xf32, #tpu.memory_space<hbm>>
    %dma_wait3A_296 = tpu.memref_squeeze %dma_wait3A_295 : memref<1x20x1000xf32, #tpu.memory_space<hbm>> -> memref<20x1000xf32, #tpu.memory_space<hbm>>
    %dma_wait3A_297 = arith.constant 0 : i32
    %dma_wait3A_298 = arith.constant 0 : i32
    %dma_wait3A_299 = tpu.memref_slice %arg4[%add3A_292, %dma_wait3A_297, %dma_wait3A_298] : memref<4096x20x1000xf32, #tpu.memory_space<hbm>> -> memref<1x20x1000xf32, #tpu.memory_space<hbm>>
    %dma_wait3A_300 = tpu.memref_squeeze %dma_wait3A_299 : memref<1x20x1000xf32, #tpu.memory_space<hbm>> -> memref<20x1000xf32, #tpu.memory_space<hbm>>
    tpu.wait_dma2 semaphore(%arg13 : memref<!tpu.dma_semaphore, #tpu.memory_space<semaphore_mem>>) src(%arg7 : memref<20x1000xf32, #tpu.memory_space<vmem>>) dst(%dma_wait3A_300 : memref<20x1000xf32, #tpu.memory_space<hbm>>)
    %add3A_301 = arith.constant 126 : i32
    %add3A_302 = arith.addi %mul3A_2, %add3A_301 : i32
    %dma_wait3A_303 = arith.constant 0 : i32
    %dma_wait3A_304 = arith.constant 0 : i32
    %dma_wait3A_305 = tpu.memref_slice %arg5[%add3A_302, %dma_wait3A_303, %dma_wait3A_304] : memref<4096x20x128xf32, #tpu.memory_space<hbm>> -> memref<1x20x128xf32, #tpu.memory_space<hbm>>
    %dma_wait3A_306 = tpu.memref_squeeze %dma_wait3A_305 : memref<1x20x128xf32, #tpu.memory_space<hbm>> -> memref<20x128xf32, #tpu.memory_space<hbm>>
    %dma_wait3A_307 = arith.constant 0 : i32
    %dma_wait3A_308 = arith.constant 0 : i32
    %dma_wait3A_309 = tpu.memref_slice %arg5[%add3A_302, %dma_wait3A_307, %dma_wait3A_308] : memref<4096x20x128xf32, #tpu.memory_space<hbm>> -> memref<1x20x128xf32, #tpu.memory_space<hbm>>
    %dma_wait3A_310 = tpu.memref_squeeze %dma_wait3A_309 : memref<1x20x128xf32, #tpu.memory_space<hbm>> -> memref<20x128xf32, #tpu.memory_space<hbm>>
    tpu.wait_dma2 semaphore(%arg15 : memref<!tpu.dma_semaphore, #tpu.memory_space<semaphore_mem>>) src(%arg9 : memref<20x128xf32, #tpu.memory_space<vmem>>) dst(%dma_wait3A_310 : memref<20x128xf32, #tpu.memory_space<hbm>>)
    %add3A_311 = arith.constant 127 : i32
    %add3A_312 = arith.addi %mul3A_2, %add3A_311 : i32
    %dma_wait3A_313 = arith.constant 0 : i32
    %dma_wait3A_314 = arith.constant 0 : i32
    %dma_wait3A_315 = tpu.memref_slice %arg4[%add3A_312, %dma_wait3A_313, %dma_wait3A_314] : memref<4096x20x1000xf32, #tpu.memory_space<hbm>> -> memref<1x20x1000xf32, #tpu.memory_space<hbm>>
    %dma_wait3A_316 = tpu.memref_squeeze %dma_wait3A_315 : memref<1x20x1000xf32, #tpu.memory_space<hbm>> -> memref<20x1000xf32, #tpu.memory_space<hbm>>
    %dma_wait3A_317 = arith.constant 0 : i32
    %dma_wait3A_318 = arith.constant 0 : i32
    %dma_wait3A_319 = tpu.memref_slice %arg4[%add3A_312, %dma_wait3A_317, %dma_wait3A_318] : memref<4096x20x1000xf32, #tpu.memory_space<hbm>> -> memref<1x20x1000xf32, #tpu.memory_space<hbm>>
    %dma_wait3A_320 = tpu.memref_squeeze %dma_wait3A_319 : memref<1x20x1000xf32, #tpu.memory_space<hbm>> -> memref<20x1000xf32, #tpu.memory_space<hbm>>
    tpu.wait_dma2 semaphore(%arg14 : memref<!tpu.dma_semaphore, #tpu.memory_space<semaphore_mem>>) src(%arg8 : memref<20x1000xf32, #tpu.memory_space<vmem>>) dst(%dma_wait3A_320 : memref<20x1000xf32, #tpu.memory_space<hbm>>)
    %add3A_321 = arith.constant 127 : i32
    %add3A_322 = arith.addi %mul3A_2, %add3A_321 : i32
    %dma_wait3A_323 = arith.constant 0 : i32
    %dma_wait3A_324 = arith.constant 0 : i32
    %dma_wait3A_325 = tpu.memref_slice %arg5[%add3A_322, %dma_wait3A_323, %dma_wait3A_324] : memref<4096x20x128xf32, #tpu.memory_space<hbm>> -> memref<1x20x128xf32, #tpu.memory_space<hbm>>
    %dma_wait3A_326 = tpu.memref_squeeze %dma_wait3A_325 : memref<1x20x128xf32, #tpu.memory_space<hbm>> -> memref<20x128xf32, #tpu.memory_space<hbm>>
    %dma_wait3A_327 = arith.constant 0 : i32
    %dma_wait3A_328 = arith.constant 0 : i32
    %dma_wait3A_329 = tpu.memref_slice %arg5[%add3A_322, %dma_wait3A_327, %dma_wait3A_328] : memref<4096x20x128xf32, #tpu.memory_space<hbm>> -> memref<1x20x128xf32, #tpu.memory_space<hbm>>
    %dma_wait3A_330 = tpu.memref_squeeze %dma_wait3A_329 : memref<1x20x128xf32, #tpu.memory_space<hbm>> -> memref<20x128xf32, #tpu.memory_space<hbm>>
    tpu.wait_dma2 semaphore(%arg16 : memref<!tpu.dma_semaphore, #tpu.memory_space<semaphore_mem>>) src(%arg10 : memref<20x128xf32, #tpu.memory_space<vmem>>) dst(%dma_wait3A_330 : memref<20x128xf32, #tpu.memory_space<hbm>>)
    return
  }
}

module attributes {stable_mosaic.version = 14 : i64} {
  func.func @body(%arg0: i32, %arg1: memref<4096x20x1000xf32, #tpu.memory_space<any>>, %arg2: memref<256x20x128xf32, #tpu.memory_space<vmem>>, %arg3: memref<256x20x128xf32, #tpu.memory_space<vmem>>) attributes {dimension_semantics = [#tpu.dimension_semantics<arbitrary>], iteration_bounds = array<i64: 16>, scalar_prefetch = 0 : i64, scratch_operands = 0 : i64, tpu.core_type = #tpu.core_type<tc>, window_params = [{}, {transform_indices = @transform_1, window_bounds = array<i64: 256, 20, 128>}, {transform_indices = @transform_2, window_bounds = array<i64: 256, 20, 128>}]} {
    %get3A = arith.constant 0 : index
    %get3A_0 = arith.constant 0 : index
    %get3A_1 = arith.constant 0 : index
    %get3A_2 = vector.load %arg2[%get3A, %get3A_0, %get3A_1] : memref<256x20x128xf32, #tpu.memory_space<vmem>>, vector<256x20x128xf32>
    %swap3A = arith.constant 0 : index
    %swap3A_3 = arith.constant 0 : index
    %swap3A_4 = arith.constant 0 : index
    %swap3A_5 = vector.load %arg3[%swap3A, %swap3A_3, %swap3A_4] : memref<256x20x128xf32, #tpu.memory_space<vmem>>, vector<256x20x128xf32>
    tpu.vector_store %arg3[%swap3A, %swap3A_3, %swap3A_4], %get3A_2 {strides = array<i32>} : memref<256x20x128xf32, #tpu.memory_space<vmem>>, vector<256x20x128xf32>,
    return
  }
  func.func @transform_1(%arg0: i32) -> (i32, i32, i32) {
    %c0_i32 = arith.constant 0 : i32
    %c0_i32_0 = arith.constant 0 : i32
    %c0_i32_1 = arith.constant 0 : i32
    return %arg0, %c0_i32, %c0_i32_0 : i32, i32, i32
  }
  func.func @transform_2(%arg0: i32) -> (i32, i32, i32) {
    %c0_i32 = arith.constant 0 : i32
    %c7_i32 = arith.constant 7 : i32
    %c0_i32_0 = arith.constant 0 : i32
    return %arg0, %c0_i32, %c7_i32 : i32, i32, i32
  }
}

</mosaic_0001>

<sc_bundles>
// kernel: kernel.4.cloned.1.call-start
scs
__scs_entry_jumppad:
0x0: {  	(pc) =	sbr.rel $0x88, $3  }
0x1: {  	(tag) =	ssettag $0x0;
	lr =	simm.s32 $0x1  }
0x2: {  	[smem:$0x3F9F] =	sst lr;
	_ =	strace $0xD0000000  }
0x3: {  	_ = 	snop  }
0x4: {  	_ = 	snop  }
0x5: {  	_ = 	snop  }
0x6: {  	_ = 	snop  }
0x7: {  	_ = 	snop  }
__scs_overlays_trampoline_lowered:
0x8: {  	[smem:$0x3FAE] =	sst s0  }
0x9: {  	[smem:$0x3FAF] =	sst s1  }
0xa: {  	[smem:$0x3FB0] =	sst s2  }
0xb: {  	[smem:$0x3FB1] =	sst s3  }
0xc: {  	[smem:$0x3FB2] =	sst s4  }
0xd: {  	[smem:$0x3FB3] =	sst s5  }
0xe: {  	[smem:$0x3FB4] =	sst s6  }
0xf: {  	[smem:$0x3FB5] =	sst s7  }
0x10: {  	[smem:$0x3FB6] =	sst s8  }
0x11: {  	[smem:$0x3FB7] =	sst s9;
	s0 =	simm.s32 @!p0 $0x0  }
0x12: {  	s1 =	sld [smem:$0x3F9D];
	s0 =	simm.s32 @p0 $0x1  }
0x13: {  	[smem:$0x3FB8] =	sst s0;
	s0 =	simm.s32 @!p1 $0x0  }
0x14: {  	s2 =	sld [smem:$0x3F9C];
	s0 =	simm.s32 @p1 $0x1  }
0x15: {  	[smem:$0x3FB9] =	sst s0;
	s0 =	simm.s32 @!p2 $0x0  }
0x16: {  	s3 =	sld [smem:$0x3FDB];
	s0 =	simm.s32 @p2 $0x1  }
0x17: {  	s4 =	simm.s32 $0x1BF5;
	[smem:$0x3FBB] =	sst s0  }
0x18: {  	s0 =	sld [smem:$0x3F9E];
	_ =	swait.ge [sflag:s4], $0x0  }
0x19: {  	s7 =	sld [smem:$0x3F9F]  }
0x1a: {  	s8 =	sadd.s32 $0xFFFFE003, lr  }
0x1b: {  	s9 =	sadd.s32 $0xFFFFFEF7, lr;
	s5 =	simm.s32 $0xFFFFFFFF;
	p2 =	slt.u32 s8, $0xFFFFF086  }
0x1c: {  	p1 =	slt.u32 s9, $0xF7A;
	s5 =	simm.s32 @!p2 $0x0  }
0x1d: {  	s5 =	simm.s32 @p1 $0x1;
	p0 =	seq.s32 s7, s2  }
0x1e: {  	s7 =	smul.u32 @!p0 $0xF7A, s2;
	p2 =	seq.s32 @!p0 s5, $0x0  }
0x1f: {  	s9 =	smul.u32 $0xF7A, s1;
	s8 =	simm.s32 @!p0 $0x1BF5;
	p2 =	por !p2, p0  }
0x20: {  	[sflag:s8] =	ssyncset.s32 @!p0 $0xFFFFF086;
	s6 =	sadd.s32 @!p0 s3, s7;
	s7 =	simm.s32 @!p0 $0x108  }
0x21: {  	s3 =	sadd.s32 s3, s9;
	s6 =	sadd.s32 @!p0 $0x88, s6;
	s7 =	simm.s32 @p2 $0x1082  }
0x22: {  	[simem:s7], [sflag:s8] =	dma.local @!p0 [hbm:s6], $0xF7A  }
0x23: {  	s9 =	sor.u32 $0xD0000000, s2;
	s6 =	simm.s32 $0x108;
	_ =	swait.ge @!p0 [sflag:s8], $0x0  }
0x24: {  	s3 =	sadd.s32 $0x88, s3;
	s6 =	simm.s32 @!p1 $0x1082;
	[sflag:s4] =	ssyncset.s32 $0xFFFFF086  }
0x25: {  	[simem:s6], [sflag:s4] =	dma.local [hbm:s3], $0xF7A  }
0x26: {  	[smem:$0x3F9F] =	sst s1;
	(tag) =	ssettag s2;
	_ =	strace s9  }
0x27: {  	s1 =	sld [smem:$0x3FAF]  }
0x28: {  	s2 =	sld [smem:$0x3FB0]  }
0x29: {  	s4 =	sld [smem:$0x3FB2]  }
0x2a: {  	p0 =	seq.s32 s5, $0x0;
	s5 =	sld [smem:$0x3FB3]  }
0x2b: {  	s6 =	sld [smem:$0x3FB4]  }
0x2c: {  	s7 =	sld [smem:$0x3FB5]  }
0x2d: {  	s3 =	simm.s32 $0x108;
	s8 =	sld [smem:$0x3FB6]  }
0x2e: {  	s3 =	simm.s32 @!p0 $0x1082;
	s9 =	sld [smem:$0x3FB7]  }
0x2f: {  	lr =	sadd.s32 s0, s3;
	s0 =	sld [smem:$0x3FAE]  }
0x30: {  	s3 =	sld [smem:$0x3FB1]  }
0x31: {  	[smem:$0x3FBA] =	sst s10  }
0x32: {  	s10 =	sld [smem:$0x3FB8];
	_ =	sdelay $0x3  }
0x33: {  	p0 =	seq.s32 s10, $0x1;
	s10 =	sld [smem:$0x3FBA];
	_ =	sdelay $0x3  }
0x34: {  	[smem:$0x3FBA] =	sst s10  }
0x35: {  	s10 =	sld [smem:$0x3FB9];
	_ =	sdelay $0x3  }
0x36: {  	p1 =	seq.s32 s10, $0x1;
	s10 =	sld [smem:$0x3FBA];
	_ =	sdelay $0x3  }
0x37: {  	[smem:$0x3FBA] =	sst s10  }
0x38: {  	s10 =	sld [smem:$0x3FBB]  }
0x39: {  	_ = 	snop;
	(pc) =	sbr.ind lr, $3  }
0x3a: {  	_ = 	snop  }
0x3b: {  	_ = 	snop  }
0x3c: {  	p2 =	seq.s32 s10, $0x1;
	s10 =	sld [smem:$0x3FBA]  }
0x3d: {  	_ =	shalt  }
0x3e: {  	_ =	shalt  }
0x3f: {  	_ =	shalt  }
0x40: {  	_ =	shalt  }
0x41: {  	_ =	shalt  }
0x42: {  	_ =	shalt  }
0x43: {  	_ =	shalt  }
0x44: {  	_ =	shalt  }
0x45: {  	_ =	shalt  }
0x46: {  	_ =	shalt  }
0x47: {  	_ =	shalt  }
0x48: {  	_ =	shalt  }
0x49: {  	_ =	shalt  }
0x4a: {  	_ =	shalt  }
0x4b: {  	_ =	shalt  }
0x4c: {  	_ =	shalt  }
0x4d: {  	_ =	shalt  }
0x4e: {  	_ =	shalt  }
0x4f: {  	_ =	shalt  }
0x50: {  	_ =	shalt  }
0x51: {  	_ =	shalt  }
0x52: {  	_ =	shalt  }
0x53: {  	_ =	shalt  }
0x54: {  	_ =	shalt  }
0x55: {  	_ =	shalt  }
0x56: {  	_ =	shalt  }
0x57: {  	_ =	shalt  }
0x58: {  	_ =	shalt  }
0x59: {  	_ =	shalt  }
0x5a: {  	_ =	shalt  }
0x5b: {  	_ =	shalt  }
0x5c: {  	_ =	shalt  }
0x5d: {  	_ =	shalt  }
0x5e: {  	_ =	shalt  }
0x5f: {  	_ =	shalt  }
0x60: {  	_ =	shalt  }
0x61: {  	_ =	shalt  }
0x62: {  	_ =	shalt  }
0x63: {  	_ =	shalt  }
0x64: {  	_ =	shalt  }
0x65: {  	_ =	shalt  }
0x66: {  	_ =	shalt  }
0x67: {  	_ =	shalt  }
0x68: {  	_ =	shalt  }
0x69: {  	_ =	shalt  }
0x6a: {  	_ =	shalt  }
0x6b: {  	_ =	shalt  }
0x6c: {  	_ =	shalt  }
0x6d: {  	_ =	shalt  }
0x6e: {  	_ =	shalt  }
0x6f: {  	_ =	shalt  }
0x70: {  	_ =	shalt  }
0x71: {  	_ =	shalt  }
0x72: {  	_ =	shalt  }
0x73: {  	_ =	shalt  }
0x74: {  	_ =	shalt  }
0x75: {  	_ =	shalt  }
0x76: {  	_ =	shalt  }
0x77: {  	_ =	shalt  }
0x78: {  	_ =	shalt  }
0x79: {  	_ =	shalt  }
0x7a: {  	_ =	shalt  }
0x7b: {  	_ =	shalt  }
0x7c: {  	_ =	shalt  }
0x7d: {  	_ =	shalt  }
0x7e: {  	_ =	shalt  }
0x7f: {  	_ =	shalt  }
0x80: {  	_ =	shalt  }
0x81: {  	_ =	shalt  }
0x82: {  	_ =	shalt  }
0x83: {  	_ =	shalt  }
0x84: {  	_ =	shalt  }
0x85: {  	_ =	shalt  }
0x86: {  	_ =	shalt  }
0x87: {  	_ =	shalt  }
.Lfunc_end0:
.L_simem_size_0:
called_computation_lowered:
.L_overlay_start_0:
0x88: {  	s2 =	sld [smem:$0x3FD9]  }
0x89: {  	s3 =	sld [smem:$0x3FFE];
	_ =	sdelay $0x1  }
0x8a: {  	s1 =	srdreg.scid  }
0x8b: {  	s0 =	sand.u32 $0x1, s1  }
0x8c: {  	s17 =	sshll.u32 s0, $0xA;
	s2 =	sadd.s32 s3, s2  }
0x8d: {  	s2 =	sadd.s32 s2, s17  }
0x8e: {  	[smem:$0x3FC6] =	sst s2  }
0x8f: {  	_ = 	snop  }
0x90: {  	s2 =	sld [smem:$0x3FD0];
	(tm) =	ssettm $0x1  }
0x91: {  	s18 =	sld [smem:$0x3FFB];
	_ =	sdelay $0x3  }
0x92: {  	_ =	strace s18  }
0x93: {  	s3 =	sld [smem:$0x3FFC];
	_ =	sdelay $0x3  }
0x94: {  	_ =	strace s3  }
0x95: {  	s3 =	sld [smem:$0x3FFD];
	_ =	sdelay $0x3  }
0x96: {  	_ =	strace s3  }
0x97: {  	_ =	strace $0x8FFFFFFF  }
0x98: {  	s19 =	sld [smem:$0x3FDB];
	_ =	sdelay $0x1  }
0x99: {  	s4 =	simm.s32 $_scs_section_size  }
0x9a: {  	s5 =	simm.s32 $_size__tile_overlayer_lowered;
	s6 =	simm.s32 $_tile_overlayer_lowered  }
0x9b: {  	s22 =	simm.s32 $0x1BFF;
	s21 =	sshll.u32 s6, $0x1;
	s3 =	sadd.s32 s4, s19  }
0x9c: {  	s7 =	simm.s32 $0x0;
	s20 =	sshll.u32 s5, $0x1;
	s5 =	sadd.s32 s21, s3  }
0x9d: {  	[timem:s7], [sflag:s22] =	dma.local [hbm:s5], s20  }
0x9e: {  	_ =	swait.ge [sflag:s22], s20  }
0x9f: {  	s4 =	ssub.s32 $0x0, s20;
	[sflag:s22] =	ssyncset.done $0x0  }
0xa0: {  	[sflag:s22] =	ssyncadd.s32 s4;
	_ =	sdelay $0x1  }
0xa1: {  	s23 =	simm.s32 $0x1B8B  }
0xa2: {  	_ =	swait.ge [sflag:s23], $0x1  }
0xa3: {  	[sflag:s23] =	ssyncset.done $0x0  }
0xa4: {  	s25 =	simm.s32 $0x1B8E;
	s24 =	sld [smem:$0x3FFE];
	[sflag:s23] =	ssyncadd.s32 $0xFFFFFFFF  }
0xa5: {  	s26 =	simm.s32 $execute0_lowered;
	[smem:$0x3FD2] =	sst s25  }
0xa6: {  	s5 =	sshll.u32 s26, $0x1;
	_ =	strace $0x80000046;
	[dreg:$0x1] =	wrdreg $0xFFFFFFFF  }
0xa7: {  	s28 =	simm.s32 $_size_execute0_lowered;
	s3 =	sadd.s32 s3, s5;
	[dreg:$0x0] =	wrdreg $0x0  }
0xa8: {  	s5 =	sshll.u32 s28, $0x1;
	[dreg:$0x2] =	wrdreg s3  }
0xa9: {  	[dreg:$0x3] =	wrdreg s5  }
0xaa: {  	[dreg:$0x4] =	wrdreg $0xC0  }
0xab: {  	_ =	task [dreg:s7], $0x5FFFF  }
0xac: {  	[dreg:$0x1] =	wrdreg $0xFFFFFFFF  }
0xad: {  	[dreg:$0x0] =	wrdreg $0x60  }
0xae: {  	[dreg:$0x2] =	wrdreg s24  }
0xaf: {  	[dreg:$0x3] =	wrdreg s2  }
0xb0: {  	[dreg:$0x4] =	wrdreg $0x9  }
0xb1: {  	_ =	task.clear_ibuf [dreg:s7], $0x5FFFF;
	_ =	strace $0x90000046  }
0xb2: {  	s29 =	simm.s32 $0x9;
	_ =	strace $0x80000048  }
0xb3: {  	_ =	swait.ge [sflag:s29], $0x1  }
0xb4: {  	[sflag:s29] =	ssyncadd.s32 $0xFFFFFFFF  }
0xb5: {  	_ =	strace $0x90000048  }
0xb6: {  	_ =	sfence  }
0xb7: {  	s30 =	sld [smem:$0x0];
	_ =	sdelay $0x2  }
0xb8: {  	s31 =	sshll.u32 s1, $0xD;
	s1 =	sshrl.u32 s1, $0x2  }
0xb9: {  	s3 =	sand.u32 $0x4000, s31;
	s1 =	sadd.s32 s1, s30  }
0xba: {  	s0 =	sor.u32 s3, s0;
	s1 =	sshll.u32 s1, $0x11  }
0xbb: {  	s0 =	sor.u32 s1, s0  }
0xbc: {  	s0 =	sadd.s32 $0x8F2B, s0  }
0xbd: {  	[sflag:s0] =	ssyncadd.remote.s32 $0x1  }
0xbe: {  	_ =	sfence.sel $0xFFFF  }
0xbf: {  	[dreg:$0x0] =	wrdreg $0xFFFFFFFF;
	(pc) =	sbr.abs _section_cstart, $3  }
0xc0: {  	[dreg:$0x1] =	wrdreg $0xFFFFFFFF  }
0xc1: {  	_ =	task.clear_ibuf [dreg:s7], $0x2FFFF;
	_ =	strace $0x9FFFFFFF  }
0xc2: {  	(tm) =	ssettm $0x7FFFFFFF  }
0xc3: {  	_ =	shalt  }
tec
execute0_lowered:
.L_overlay_start_1:
0x0: {  	(tag) =	ssettag $0x1  }
0x1: {  	s0 =	srdreg.scid  }
0x2: {  	s13 =	stileid.u32;
	s1 =	rddreg [dreg:$0x0]  }
0x3: {  	s4 =	rddreg [dreg:$0x1];
	s15 =	simm.s32 $0x8000;
	s14 =	simm.s32 $0x8400  }
0x4: {  	s17 =	simm.s32 $0x6800;
	s18 =	simm.s32 $0x8800;
	s19 =	simm.s32 $0xA800  }
0x5: {  	s20 =	simm.s32 $0x6C00;
	s28 =	simm.s32 $0xAC00;
	s29 =	simm.s32 $0x9800  }
0x6: {  	s16 =	simm.s32 $0x12000;
	s30 =	simm.s32 $0x12C00;
	s12 =	smul.u32 $0xC0000, s13  }
0x7: {  	s0 =	sand.u32 $0x1, s0;
	s2 =	sshll.u32 s13, $0x1;
	s23 =	smul.u32 $0x18000, s13  }
0x8: {  	s31 =	simm.s32 $0x1;
	s3 =	sor.u32 s0, s2;
	s21 =	smul.u32 $0x60000, s0  }
0x9: {  	s2 =	simm.s32 $0x0;
	s9 =	ssub.s32 $0x2, s0;
	s0 =	smul.u32 $0xC000, s0  }
0xa: {  	s5 =	sshll.u32 s3, $0x7;
	s6 =	smul.u32 $0xC00, s3;
	s3 =	sshllo.u32 s3, $0x7  }
0xb: {  	s13 =	simm.s32 $0x7400;
	[smem:$0x7FF] =	sst s2;
	s8 =	smul.u32 $0xC00, s3  }
0xc: {  	s11 =	sshrl.u32 s9, $0x1;
	s5 =	sor.u32 $0x7E, s5;
	s10 =	smul.u32 $0x180, s3  }
0xd: {  	_ =	strace $0x80000047;
	s3 =	sadd.s32 $0x800, s1;
	s7 =	smul.u32 $0xC00, s5  }
0xe: {  	s9 =	ssub.s32 s9, s11;
	s11 =	simm.s32 $0xA000;
	s5 =	smul.u32 $0x180, s5  }
0xf: {  	s6 =	sadd.s32 s6, s1;
	s1 =	sadd.s32 $0x37C00, s1;
	s26 =	smax.u32 s9, $0x1  }
0x10: {  	s9 =	simm.s32 $0x6;
	s6 =	sadd.s32 $0x1FC00, s6;
	s24 =	sadd.s32 s1, s8  }
0x11: {  	s25 =	sadd.s32 s4, s10;
	[dreg:$0x8] =	wrdreg s26;
	s26 =	simm.s32 $0xA400  }
0x12: {  	s8 =	simm.s32 $0x4;
	s10 =	simm.s32 $0x0;
	[dreg:$0x3] =	wrdreg s6  }
0x13: {  	s22 =	sadd.s32 s1, s7;
	s5 =	sadd.s32 s4, s5;
	[dreg:$0x6] =	wrdreg s24  }
0x14: {  	[dreg:$0x7] =	wrdreg s25;
	s1 =	sadd.s32 s12, s1;
	s4 =	sadd.s32 s23, s4  }
0x15: {  	s12 =	simm.s32 $0x6400;
	s23 =	simm.s32 $0x7000;
	[dreg:$0xb] =	wrdreg s10  }
0x16: {  	s24 =	simm.s32 $0x9000;
	s25 =	simm.s32 $0xB000;
	[dreg:$0x4] =	wrdreg s22  }
0x17: {  	s6 =	simm.s32 $0x9400;
	s7 =	simm.s32 $0xB400;
	[dreg:$0x5] =	wrdreg s5  }
0x18: {  	s1 =	sadd.s32 s21, s1;
	s0 =	sadd.s32 s0, s4;
	s5 =	simm.s32 $0x6000  }
0x19: {  	v2 =	vlaneseq.u32;
	s21 =	simm.s32 $0x8C00;
	s22 =	simm.s32 $0xC000;
	s1 =	sadd.s32 $0xC00, s1  }
0x1a: {  	vm0 =	vmmov $0xff;
	vm1 =	vmmov $0xf;
	v1 =	vshrl.u32 v2, $0x3;
	s4 =	simm.s32 $0x5;
	s0 =	sadd.s32 $0x180, s0;
	[dreg:$0x9] =	wrdreg s1  }
0x1b: {  	v0 =	vand.u32 $0x7, v2;
	v2 =	vor.u32 $0x8, v2;
	v1 =	vmul.u32 $0x8, v1;
	[dreg:$0xa] =	wrdreg s0;
	s1 =	simm.s32 $0x2;
	s0 =	simm.s32 $0x3  }
.LBB2_1:
0x1c: {  	s10 =	rddreg [dreg:$0x3]  }
0x1d: {  	[tilespmem:s2], [sflag:$0x7] =	stream.linear.gather [hbm4b:s10+s2], $0x6000, $0x38;
	[tilespmem:$0x13800] =	vst v63  }
0x1e: {  	s10 =	simm.s32 $0x7  }
0x1f: {  	_ =	swait.ge [sflag:s10], $0x6000  }
0x20: {  	[sflag:s10] =	ssyncset.done $0x0  }
0x21: {  	[sflag:s10] =	ssyncadd.s32 $0xFFFFA000  }
0x22: {  	v3 =	vld [tilespmem:$0x0];
	_ =	sdelay $0x4  }
0x23: {  	v4 =	vperm.xlane v3, v0;
	_ =	sdelay $0x1  }
0x24: {  	v3 =	vperm.xlane v3, v2;
	v4 =	vadd.s32 v1, v4;
	_ =	sdelay $0x1  }
0x25: {  	v3 =	vadd.s32 v1, v3;
	_ =	sdelay $0x2  }
0x26: {  	[tilespmem:s5], [sflag:$0x1] =	stream.indirect_vreg.gather [hbm4b:s3+s2], $0x80, v4, vm0, $0xb8;
	[tilespmem:$0x13800] =	vst v63  }
0x27: {  	_ = 	snop  }
0x28: {  	[tilespmem:s15], [sflag:$0x1] =	stream.indirect_vreg.gather [hbm4b:s3+s2], $0x80, v3, vm0, $0xb8;
	[tilespmem:$0x13800] =	vst v63  }
0x29: {  	v3 =	vld.msk [tilespmem:$0x10], $0xf;
	_ =	sdelay $0x4  }
0x2a: {  	v3 =	vperm.xlane v3, v0;
	_ =	sdelay $0x1  }
0x2b: {  	v3 =	vadd.s32 v1, v3;
	_ =	sdelay $0x4  }
0x2c: {  	[tilespmem:s11], [sflag:$0x1] =	stream.indirect_vreg.gather [hbm4b:s3+s2], $0x80, v3, vm1, $0xb8;
	[tilespmem:$0x13800] =	vst v63  }
0x2d: {  	v3 =	vld [tilespmem:$0x18];
	_ =	sdelay $0x4  }
0x2e: {  	v51 =	vperm.xlane v3, v0;
	_ =	sdelay $0x1  }
0x2f: {  	v3 =	vperm.xlane v3, v2;
	v4 =	vadd.s32 v1, v51;
	_ =	sdelay $0x1  }
0x30: {  	v3 =	vadd.s32 v1, v3;
	_ =	sdelay $0x2  }
0x31: {  	[tilespmem:s12], [sflag:$0x1] =	stream.indirect_vreg.gather [hbm4b:s3+s2], $0x80, v4, vm0, $0xb8;
	[tilespmem:$0x13800] =	vst v63  }
0x32: {  	_ = 	snop  }
0x33: {  	[tilespmem:s14], [sflag:$0x1] =	stream.indirect_vreg.gather [hbm4b:s3+s2], $0x80, v3, vm0, $0xb8;
	[tilespmem:$0x13800] =	vst v63  }
0x34: {  	v3 =	vld.msk [tilespmem:$0x28], $0xf;
	_ =	sdelay $0x4  }
0x35: {  	v3 =	vperm.xlane v3, v0;
	_ =	sdelay $0x1  }
0x36: {  	v3 =	vadd.s32 v1, v3;
	_ =	sdelay $0x4  }
0x37: {  	[tilespmem:s26], [sflag:$0x1] =	stream.indirect_vreg.gather [hbm4b:s3+s2], $0x80, v3, vm1, $0xb8;
	[tilespmem:$0x13800] =	vst v63  }
0x38: {  	v3 =	vld [tilespmem:$0x30];
	_ =	sdelay $0x4  }
0x39: {  	v52 =	vperm.xlane v3, v0;
	_ =	sdelay $0x1  }
0x3a: {  	v3 =	vperm.xlane v3, v2;
	v4 =	vadd.s32 v1, v52;
	_ =	sdelay $0x1  }
0x3b: {  	v3 =	vadd.s32 v1, v3;
	_ =	sdelay $0x2  }
0x3c: {  	[tilespmem:s17], [sflag:$0x1] =	stream.indirect_vreg.gather [hbm4b:s3+s2], $0x80, v4, vm0, $0xb8;
	[tilespmem:$0x13800] =	vst v63  }
0x3d: {  	_ = 	snop  }
0x3e: {  	[tilespmem:s18], [sflag:$0x1] =	stream.indirect_vreg.gather [hbm4b:s3+s2], $0x80, v3, vm0, $0xb8;
	[tilespmem:$0x13800] =	vst v63  }
0x3f: {  	v3 =	vld.msk [tilespmem:$0x40], $0xf;
	_ =	sdelay $0x4  }
0x40: {  	v3 =	vperm.xlane v3, v0;
	_ =	sdelay $0x1  }
0x41: {  	v3 =	vadd.s32 v1, v3;
	_ =	sdelay $0x4  }
0x42: {  	[tilespmem:s19], [sflag:$0x1] =	stream.indirect_vreg.gather [hbm4b:s3+s2], $0x80, v3, vm1, $0xb8;
	[tilespmem:$0x13800] =	vst v63  }
0x43: {  	v3 =	vld [tilespmem:$0x48];
	_ =	sdelay $0x4  }
0x44: {  	v53 =	vperm.xlane v3, v0;
	_ =	sdelay $0x1  }
0x45: {  	v3 =	vperm.xlane v3, v2;
	v4 =	vadd.s32 v1, v53;
	_ =	sdelay $0x1  }
0x46: {  	v3 =	vadd.s32 v1, v3;
	_ =	sdelay $0x2  }
0x47: {  	[tilespmem:s20], [sflag:$0x1] =	stream.indirect_vreg.gather [hbm4b:s3+s2], $0x80, v4, vm0, $0xb8;
	[tilespmem:$0x13800] =	vst v63  }
0x48: {  	_ = 	snop  }
0x49: {  	[tilespmem:s21], [sflag:$0x1] =	stream.indirect_vreg.gather [hbm4b:s3+s2], $0x80, v3, vm0, $0xb8;
	[tilespmem:$0x13800] =	vst v63  }
0x4a: {  	v3 =	vld.msk [tilespmem:$0x58], $0xf;
	_ =	sdelay $0x4  }
0x4b: {  	v3 =	vperm.xlane v3, v0;
	_ =	sdelay $0x1  }
0x4c: {  	v3 =	vadd.s32 v1, v3;
	_ =	sdelay $0x4  }
0x4d: {  	[tilespmem:s28], [sflag:$0x1] =	stream.indirect_vreg.gather [hbm4b:s3+s2], $0x80, v3, vm1, $0xb8;
	[tilespmem:$0x13800] =	vst v63  }
0x4e: {  	v3 =	vld [tilespmem:$0x60];
	_ =	sdelay $0x4  }
0x4f: {  	v54 =	vperm.xlane v3, v0;
	_ =	sdelay $0x1  }
0x50: {  	v3 =	vperm.xlane v3, v2;
	v4 =	vadd.s32 v1, v54;
	_ =	sdelay $0x1  }
0x51: {  	v3 =	vadd.s32 v1, v3;
	_ =	sdelay $0x2  }
0x52: {  	[tilespmem:s23], [sflag:$0x1] =	stream.indirect_vreg.gather [hbm4b:s3+s2], $0x80, v4, vm0, $0xb8;
	[tilespmem:$0x13800] =	vst v63  }
0x53: {  	_ = 	snop  }
0x54: {  	[tilespmem:s24], [sflag:$0x1] =	stream.indirect_vreg.gather [hbm4b:s3+s2], $0x80, v3, vm0, $0xb8;
	[tilespmem:$0x13800] =	vst v63  }
0x55: {  	v3 =	vld.msk [tilespmem:$0x70], $0xf;
	_ =	sdelay $0x4  }
0x56: {  	v3 =	vperm.xlane v3, v0;
	_ =	sdelay $0x1  }
0x57: {  	v3 =	vadd.s32 v1, v3;
	_ =	sdelay $0x4  }
0x58: {  	[tilespmem:s25], [sflag:$0x1] =	stream.indirect_vreg.gather [hbm4b:s3+s2], $0x80, v3, vm1, $0xb8;
	[tilespmem:$0x13800] =	vst v63  }
0x59: {  	v3 =	vld [tilespmem:$0x78];
	_ =	sdelay $0x4  }
0x5a: {  	v55 =	vperm.xlane v3, v0;
	_ =	sdelay $0x1  }
0x5b: {  	v3 =	vperm.xlane v3, v2;
	v4 =	vadd.s32 v1, v55;
	_ =	sdelay $0x1  }
0x5c: {  	v3 =	vadd.s32 v1, v3;
	_ =	sdelay $0x2  }
0x5d: {  	[tilespmem:s13], [sflag:$0x1] =	stream.indirect_vreg.gather [hbm4b:s3+s2], $0x80, v4, vm0, $0xb8;
	[tilespmem:$0x13800] =	vst v63  }
0x5e: {  	_ = 	snop  }
0x5f: {  	[tilespmem:s6], [sflag:$0x1] =	stream.indirect_vreg.gather [hbm4b:s3+s2], $0x80, v3, vm0, $0xb8;
	[tilespmem:$0x13800] =	vst v63  }
0x60: {  	v3 =	vld.msk [tilespmem:$0x88], $0xf;
	_ =	sdelay $0x4  }
0x61: {  	v3 =	vperm.xlane v3, v0;
	_ =	sdelay $0x1  }
0x62: {  	v3 =	vadd.s32 v1, v3;
	_ =	sdelay $0x4  }
0x63: {  	[tilespmem:s7], [sflag:$0x1] =	stream.indirect_vreg.gather [hbm4b:s3+s2], $0x80, v3, vm1, $0xb8;
	[tilespmem:$0x13800] =	vst v63  }
0x64: {  	v3 =	vld [tilespmem:$0x90];
	_ =	sdelay $0x4  }
0x65: {  	v56 =	vperm.xlane v3, v0;
	_ =	sdelay $0x1  }
0x66: {  	v3 =	vperm.xlane v3, v2;
	v4 =	vadd.s32 v1, v56;
	_ =	sdelay $0x1  }
0x67: {  	v3 =	vadd.s32 v1, v3;
	_ =	sdelay $0x1  }
0x68: {  	s23 =	simm.s32 $0x7800  }
0x69: {  	[tilespmem:s23], [sflag:$0x1] =	stream.indirect_vreg.gather [hbm4b:s3+s2], $0x80, v4, vm0, $0xb8;
	[tilespmem:$0x13800] =	vst v63  }
0x6a: {  	_ = 	snop  }
0x6b: {  	[tilespmem:s29], [sflag:$0x1] =	stream.indirect_vreg.gather [hbm4b:s3+s2], $0x80, v3, vm0, $0xb8;
	[tilespmem:$0x13800] =	vst v63  }
0x6c: {  	v3 =	vld.msk [tilespmem:$0xA0], $0xf;
	_ =	sdelay $0x4  }
0x6d: {  	v3 =	vperm.xlane v3, v0;
	_ =	sdelay $0x1  }
0x6e: {  	v3 =	vadd.s32 v1, v3;
	_ =	sdelay $0x3  }
0x6f: {  	s24 =	simm.s32 $0xB800  }
0x70: {  	[tilespmem:s24], [sflag:$0x1] =	stream.indirect_vreg.gather [hbm4b:s3+s2], $0x80, v3, vm1, $0xb8;
	[tilespmem:$0x13800] =	vst v63  }
0x71: {  	s25 =	simm.s32 $0xA8;
	s6 =	simm.s32 $0x14  }
0x72: {  	[tilespmem:s16], [sflag:$0x1] =	stream.indirect.gather [hbm4b:s3+s6], $0x80, s25, s6, $0xb8;
	[tilespmem:$0x13800] =	vst v63  }
0x73: {  	v3 =	vld [tilespmem:$0xC0];
	_ =	sdelay $0x4  }
0x74: {  	v57 =	vperm.xlane v3, v0;
	_ =	sdelay $0x1  }
0x75: {  	v3 =	vperm.xlane v3, v2;
	v4 =	vadd.s32 v1, v57;
	_ =	sdelay $0x1  }
0x76: {  	v3 =	vadd.s32 v1, v3;
	_ =	sdelay $0x2  }
0x77: {  	[tilespmem:s22], [sflag:$0x2] =	stream.indirect_vreg.gather [hbm4b:s3+s2], $0x80, v4, vm0, $0xb8;
	[tilespmem:$0x13800] =	vst v63  }
0x78: {  	s26 =	simm.s32 $0xE000  }
0x79: {  	[tilespmem:s26], [sflag:$0x2] =	stream.indirect_vreg.gather [hbm4b:s3+s2], $0x80, v3, vm0, $0xb8;
	[tilespmem:$0x13800] =	vst v63  }
0x7a: {  	v3 =	vld.msk [tilespmem:$0xD0], $0xf;
	_ =	sdelay $0x4  }
0x7b: {  	v3 =	vperm.xlane v3, v0;
	_ =	sdelay $0x1  }
0x7c: {  	v3 =	vadd.s32 v1, v3;
	_ =	sdelay $0x3  }
0x7d: {  	s29 =	simm.s32 $0x10000  }
0x7e: {  	[tilespmem:s29], [sflag:$0x2] =	stream.indirect_vreg.gather [hbm4b:s3+s2], $0x80, v3, vm1, $0xb8;
	[tilespmem:$0x13800] =	vst v63  }
0x7f: {  	v3 =	vld [tilespmem:$0xD8];
	_ =	sdelay $0x4  }
0x80: {  	v58 =	vperm.xlane v3, v0;
	_ =	sdelay $0x1  }
0x81: {  	v3 =	vperm.xlane v3, v2;
	v4 =	vadd.s32 v1, v58;
	_ =	sdelay $0x1  }
0x82: {  	v3 =	vadd.s32 v1, v3;
	_ =	sdelay $0x1  }
0x83: {  	s7 =	simm.s32 $0xC400  }
0x84: {  	[tilespmem:s7], [sflag:$0x2] =	stream.indirect_vreg.gather [hbm4b:s3+s2], $0x80, v4, vm0, $0xb8;
	[tilespmem:$0x13800] =	vst v63  }
0x85: {  	s10 =	simm.s32 $0xE400  }
0x86: {  	[tilespmem:s10], [sflag:$0x2] =	stream.indirect_vreg.gather [hbm4b:s3+s2], $0x80, v3, vm0, $0xb8;
	[tilespmem:$0x13800] =	vst v63  }
0x87: {  	v3 =	vld.msk [tilespmem:$0xE8], $0xf;
	_ =	sdelay $0x4  }
0x88: {  	v3 =	vperm.xlane v3, v0;
	_ =	sdelay $0x1  }
0x89: {  	v3 =	vadd.s32 v1, v3;
	_ =	sdelay $0x3  }
0x8a: {  	s11 =	simm.s32 $0x10400  }
0x8b: {  	[tilespmem:s11], [sflag:$0x2] =	stream.indirect_vreg.gather [hbm4b:s3+s2], $0x80, v3, vm1, $0xb8;
	[tilespmem:$0x13800] =	vst v63  }
0x8c: {  	v3 =	vld [tilespmem:$0xF0];
	_ =	sdelay $0x4  }
0x8d: {  	v59 =	vperm.xlane v3, v0;
	_ =	sdelay $0x1  }
0x8e: {  	v3 =	vperm.xlane v3, v2;
	v4 =	vadd.s32 v1, v59;
	_ =	sdelay $0x1  }
0x8f: {  	v3 =	vadd.s32 v1, v3;
	_ =	sdelay $0x1  }
0x90: {  	s12 =	simm.s32 $0xC800  }
0x91: {  	[tilespmem:s12], [sflag:$0x2] =	stream.indirect_vreg.gather [hbm4b:s3+s2], $0x80, v4, vm0, $0xb8;
	[tilespmem:$0x13800] =	vst v63  }
0x92: {  	s13 =	simm.s32 $0xE800  }
0x93: {  	[tilespmem:s13], [sflag:$0x2] =	stream.indirect_vreg.gather [hbm4b:s3+s2], $0x80, v3, vm0, $0xb8;
	[tilespmem:$0x13800] =	vst v63  }
0x94: {  	v3 =	vld.msk [tilespmem:$0x100], $0xf;
	_ =	sdelay $0x4  }
0x95: {  	v3 =	vperm.xlane v3, v0;
	_ =	sdelay $0x1  }
0x96: {  	v3 =	vadd.s32 v1, v3;
	_ =	sdelay $0x3  }
0x97: {  	s14 =	simm.s32 $0x10800  }
0x98: {  	[tilespmem:s14], [sflag:$0x2] =	stream.indirect_vreg.gather [hbm4b:s3+s2], $0x80, v3, vm1, $0xb8;
	[tilespmem:$0x13800] =	vst v63  }
0x99: {  	v3 =	vld [tilespmem:$0x108];
	_ =	sdelay $0x4  }
0x9a: {  	v60 =	vperm.xlane v3, v0;
	_ =	sdelay $0x1  }
0x9b: {  	v3 =	vperm.xlane v3, v2;
	v4 =	vadd.s32 v1, v60;
	_ =	sdelay $0x1  }
0x9c: {  	v3 =	vadd.s32 v1, v3;
	_ =	sdelay $0x1  }
0x9d: {  	s16 =	simm.s32 $0xCC00  }
0x9e: {  	[tilespmem:s16], [sflag:$0x2] =	stream.indirect_vreg.gather [hbm4b:s3+s2], $0x80, v4, vm0, $0xb8;
	[tilespmem:$0x13800] =	vst v63  }
0x9f: {  	s17 =	simm.s32 $0xEC00  }
0xa0: {  	[tilespmem:s17], [sflag:$0x2] =	stream.indirect_vreg.gather [hbm4b:s3+s2], $0x80, v3, vm0, $0xb8;
	[tilespmem:$0x13800] =	vst v63  }
0xa1: {  	v3 =	vld.msk [tilespmem:$0x118], $0xf;
	_ =	sdelay $0x4  }
0xa2: {  	v3 =	vperm.xlane v3, v0;
	_ =	sdelay $0x1  }
0xa3: {  	v3 =	vadd.s32 v1, v3;
	_ =	sdelay $0x3  }
0xa4: {  	s18 =	simm.s32 $0x10C00  }
0xa5: {  	[tilespmem:s18], [sflag:$0x2] =	stream.indirect_vreg.gather [hbm4b:s3+s2], $0x80, v3, vm1, $0xb8;
	[tilespmem:$0x13800] =	vst v63  }
0xa6: {  	v3 =	vld [tilespmem:$0x120];
	_ =	sdelay $0x4  }
0xa7: {  	v61 =	vperm.xlane v3, v0;
	_ =	sdelay $0x1  }
0xa8: {  	v3 =	vperm.xlane v3, v2;
	v4 =	vadd.s32 v1, v61;
	_ =	sdelay $0x1  }
0xa9: {  	v3 =	vadd.s32 v1, v3;
	_ =	sdelay $0x1  }
0xaa: {  	s19 =	simm.s32 $0xD000  }
0xab: {  	[tilespmem:s19], [sflag:$0x2] =	stream.indirect_vreg.gather [hbm4b:s3+s2], $0x80, v4, vm0, $0xb8;
	[tilespmem:$0x13800] =	vst v63  }
0xac: {  	s20 =	simm.s32 $0xF000  }
0xad: {  	[tilespmem:s20], [sflag:$0x2] =	stream.indirect_vreg.gather [hbm4b:s3+s2], $0x80, v3, vm0, $0xb8;
	[tilespmem:$0x13800] =	vst v63  }
0xae: {  	v3 =	vld.msk [tilespmem:$0x130], $0xf;
	_ =	sdelay $0x4  }
0xaf: {  	v3 =	vperm.xlane v3, v0;
	_ =	sdelay $0x1  }
0xb0: {  	v3 =	vadd.s32 v1, v3;
	_ =	sdelay $0x3  }
0xb1: {  	s21 =	simm.s32 $0x11000  }
0xb2: {  	[tilespmem:s21], [sflag:$0x2] =	stream.indirect_vreg.gather [hbm4b:s3+s2], $0x80, v3, vm1, $0xb8;
	[tilespmem:$0x13800] =	vst v63  }
0xb3: {  	v3 =	vld [tilespmem:$0x138];
	_ =	sdelay $0x4  }
0xb4: {  	v62 =	vperm.xlane v3, v0;
	_ =	sdelay $0x1  }
0xb5: {  	v3 =	vperm.xlane v3, v2;
	v4 =	vadd.s32 v1, v62;
	_ =	sdelay $0x1  }
0xb6: {  	v3 =	vadd.s32 v1, v3;
	_ =	sdelay $0x1  }
0xb7: {  	s22 =	simm.s32 $0xD400  }
0xb8: {  	[tilespmem:s22], [sflag:$0x2] =	stream.indirect_vreg.gather [hbm4b:s3+s2], $0x80, v4, vm0, $0xb8;
	[tilespmem:$0x13800] =	vst v63  }
0xb9: {  	s23 =	simm.s32 $0xF400  }
0xba: {  	[tilespmem:s23], [sflag:$0x2] =	stream.indirect_vreg.gather [hbm4b:s3+s2], $0x80, v3, vm0, $0xb8;
	[tilespmem:$0x13800] =	vst v63  }
0xbb: {  	v3 =	vld.msk [tilespmem:$0x148], $0xf;
	_ =	sdelay $0x4  }
0xbc: {  	v3 =	vperm.xlane v3, v0;
	_ =	sdelay $0x1  }
0xbd: {  	v3 =	vadd.s32 v1, v3;
	_ =	sdelay $0x3  }
0xbe: {  	s24 =	simm.s32 $0x11400  }
0xbf: {  	[tilespmem:s24], [sflag:$0x2] =	stream.indirect_vreg.gather [hbm4b:s3+s2], $0x80, v3, vm1, $0xb8;
	[tilespmem:$0x13800] =	vst v63  }
0xc0: {  	v3 =	vld [tilespmem:$0x150];
	_ =	sdelay $0x4  }
0xc1: {  	v63 =	vperm.xlane v3, v0;
	_ =	sdelay $0x1  }
0xc2: {  	v3 =	vperm.xlane v3, v2;
	v4 =	vadd.s32 v1, v63;
	_ =	sdelay $0x1  }
0xc3: {  	v3 =	vadd.s32 v1, v3;
	_ =	sdelay $0x1  }
0xc4: {  	s25 =	simm.s32 $0xD800  }
0xc5: {  	[tilespmem:s25], [sflag:$0x2] =	stream.indirect_vreg.gather [hbm4b:s3+s2], $0x80, v4, vm0, $0xb8;
	[tilespmem:$0x13800] =	vst v63  }
0xc6: {  	s26 =	simm.s32 $0xF800  }
0xc7: {  	[tilespmem:s26], [sflag:$0x2] =	stream.indirect_vreg.gather [hbm4b:s3+s2], $0x80, v3, vm0, $0xb8;
	[tilespmem:$0x13800] =	vst v63  }
0xc8: {  	v3 =	vld.msk [tilespmem:$0x160], $0xf;
	_ =	sdelay $0x4  }
0xc9: {  	v3 =	vperm.xlane v3, v0;
	_ =	sdelay $0x1  }
0xca: {  	s28 =	simm.s32 $0x9000;
	v3 =	vadd.s32 v1, v3  }
0xcb: {  	s29 =	simm.s32 $0x168;
	s7 =	simm.s32 $0xB400;
	s10 =	rddreg [dreg:$0xa]  }
0xcc: {  	s11 =	rddreg [dreg:$0x9];
	s12 =	simm.s32 $0x0;
	s13 =	simm.s32 $0x7400  }
0xcd: {  	s17 =	simm.s32 $0x6400;
	s18 =	simm.s32 $0x8400;
	s19 =	simm.s32 $0x14  }
0xce: {  	s20 =	simm.s32 $0x11800;
	s21 =	simm.s32 $0x8800;
	s23 =	simm.s32 $0x6C00  }
0xcf: {  	[tilespmem:s20], [sflag:$0x2] =	stream.indirect_vreg.gather [hbm4b:s3+s2], $0x80, v3, vm1, $0xb8;
	[tilespmem:$0x13800] =	vst v63  }
0xd0: {  	s24 =	simm.s32 $0x8C00;
	s25 =	simm.s32 $0x7800;
	s26 =	simm.s32 $0x7000  }
0xd1: {  	[tilespmem:s30], [sflag:$0x2] =	stream.indirect.gather [hbm4b:s3+s6], $0x80, s29, s6, $0xb8;
	[tilespmem:$0x13800] =	vst v63  }
.LBB2_2:
0xd2: {  	_ =	swait.ge [sflag:s31], $0xA00  }
0xd3: {  	[sflag:s31] =	ssyncset.done $0x0  }
0xd4: {  	[sflag:s31] =	ssyncadd.s32 $0xFFFFF600  }
0xd5: {  	_ =	swait.ge [sflag:s31], $0xA00  }
0xd6: {  	[sflag:s31] =	ssyncset.done $0x0  }
0xd7: {  	[sflag:s31] =	ssyncadd.s32 $0xFFFFF600  }
0xd8: {  	_ =	swait.ge [sflag:s31], $0xA00  }
0xd9: {  	[sflag:s31] =	ssyncset.done $0x0  }
0xda: {  	[sflag:s31] =	ssyncadd.s32 $0xFFFFF600  }
0xdb: {  	_ =	swait.ge [sflag:s31], $0xA00  }
0xdc: {  	[sflag:s31] =	ssyncset.done $0x0  }
0xdd: {  	[sflag:s31] =	ssyncadd.s32 $0xFFFFF600  }
0xde: {  	_ =	swait.ge [sflag:s31], $0xA00  }
0xdf: {  	[sflag:s31] =	ssyncset.done $0x0  }
0xe0: {  	[sflag:s31] =	ssyncadd.s32 $0xFFFFF600  }
0xe1: {  	_ =	swait.ge [sflag:s31], $0xA00  }
0xe2: {  	[sflag:s31] =	ssyncset.done $0x0  }
0xe3: {  	[sflag:s31] =	ssyncadd.s32 $0xFFFFF600  }
0xe4: {  	_ =	swait.ge [sflag:s31], $0xA00  }
0xe5: {  	[sflag:s31] =	ssyncset.done $0x0  }
0xe6: {  	[sflag:s31] =	ssyncadd.s32 $0xFFFFF600  }
0xe7: {  	_ =	swait.ge [sflag:s31], $0xA00  }
0xe8: {  	[sflag:s31] =	ssyncset.done $0x0  }
0xe9: {  	s14 =	sadd.s32 $0xFFFFF400, s11;
	s6 =	simm.s32 $0x6000;
	[sflag:s31] =	ssyncadd.s32 $0xFFFFF600  }
0xea: {  	[hbm4b:s14+s2] =	stream.linear.scatter [tilespmem:s6], [sflag:$0x3], $0x6000, $0x38;
	[tilespmem:$0x13800] =	vst v63  }
0xeb: {  	s5 =	sadd.s32 $0xFFFFFE80, s10;
	s22 =	simm.s32 $0x12000  }
0xec: {  	[hbm4b:s5+s2] =	stream.linear.scatter [tilespmem:s22], [sflag:$0x5], $0xA00, $0x38;
	[tilespmem:$0x13800] =	vst v63  }
0xed: {  	_ =	swait.ge [sflag:s1], $0xA00  }
0xee: {  	[sflag:s1] =	ssyncset.done $0x0  }
0xef: {  	[sflag:s1] =	ssyncadd.s32 $0xFFFFF600  }
0xf0: {  	_ =	swait.ge [sflag:s1], $0xA00  }
0xf1: {  	[sflag:s1] =	ssyncset.done $0x0  }
0xf2: {  	[sflag:s1] =	ssyncadd.s32 $0xFFFFF600  }
0xf3: {  	_ =	swait.ge [sflag:s1], $0xA00  }
0xf4: {  	[sflag:s1] =	ssyncset.done $0x0  }
0xf5: {  	[sflag:s1] =	ssyncadd.s32 $0xFFFFF600  }
0xf6: {  	_ =	swait.ge [sflag:s1], $0xA00  }
0xf7: {  	[sflag:s1] =	ssyncset.done $0x0  }
0xf8: {  	[sflag:s1] =	ssyncadd.s32 $0xFFFFF600  }
0xf9: {  	_ =	swait.ge [sflag:s1], $0xA00  }
0xfa: {  	[sflag:s1] =	ssyncset.done $0x0  }
0xfb: {  	[sflag:s1] =	ssyncadd.s32 $0xFFFFF600  }
0xfc: {  	_ =	swait.ge [sflag:s1], $0xA00  }
0xfd: {  	[sflag:s1] =	ssyncset.done $0x0  }
0xfe: {  	[sflag:s1] =	ssyncadd.s32 $0xFFFFF600  }
0xff: {  	_ =	swait.ge [sflag:s1], $0xA00  }
0x100: {  	[sflag:s1] =	ssyncset.done $0x0  }
0x101: {  	[sflag:s1] =	ssyncadd.s32 $0xFFFFF600  }
0x102: {  	_ =	swait.ge [sflag:s1], $0xA00  }
0x103: {  	[sflag:s1] =	ssyncset.done $0x0  }
0x104: {  	s29 =	simm.s32 $0xC000;
	[sflag:s1] =	ssyncadd.s32 $0xFFFFF600  }
0x105: {  	[hbm4b:s11+s2] =	stream.linear.scatter [tilespmem:s29], [sflag:$0x4], $0x6000, $0x38;
	[tilespmem:$0x13800] =	vst v63  }
0x106: {  	_ = 	snop  }
0x107: {  	[hbm4b:s10+s2] =	stream.linear.scatter [tilespmem:s30], [sflag:$0x6], $0xA00, $0x38;
	[tilespmem:$0x13800] =	vst v63  }
0x108: {  	_ =	swait.ge [sflag:s0], $0x6000  }
0x109: {  	[sflag:s0] =	ssyncset.done $0x0  }
0x10a: {  	[sflag:s0] =	ssyncadd.s32 $0xFFFFA000  }
0x10b: {  	_ =	swait.ge [sflag:s4], $0xA00  }
0x10c: {  	[sflag:s4] =	ssyncset.done $0x0  }
0x10d: {  	s14 =	sshra.s32 s12, $0x2;
	[sflag:s4] =	ssyncadd.s32 $0xFFFFF600  }
0x10e: {  	v3 =	vld [tilespmem:s14+$0x180];
	_ =	sdelay $0x4  }
0x10f: {  	v4 =	vperm.xlane v3, v0;
	_ =	sdelay $0x1  }
0x110: {  	v3 =	vperm.xlane v3, v2;
	v4 =	vadd.s32 v1, v4;
	_ =	sdelay $0x1  }
0x111: {  	v3 =	vadd.s32 v1, v3;
	_ =	sdelay $0x2  }
0x112: {  	[tilespmem:s6], [sflag:$0x1] =	stream.indirect_vreg.gather [hbm4b:s3+s2], $0x80, v4, vm0, $0xb8;
	[tilespmem:$0x13800] =	vst v63  }
0x113: {  	_ = 	snop  }
0x114: {  	[tilespmem:s15], [sflag:$0x1] =	stream.indirect_vreg.gather [hbm4b:s3+s2], $0x80, v3, vm0, $0xb8;
	[tilespmem:$0x13800] =	vst v63  }
0x115: {  	v3 =	vld.msk [tilespmem:s14+$0x190], $0xf;
	_ =	sdelay $0x4  }
0x116: {  	v3 =	vperm.xlane v3, v0;
	_ =	sdelay $0x1  }
0x117: {  	v3 =	vadd.s32 v1, v3;
	_ =	sdelay $0x3  }
0x118: {  	s16 =	simm.s32 $0xA000  }
0x119: {  	[tilespmem:s16], [sflag:$0x1] =	stream.indirect_vreg.gather [hbm4b:s3+s2], $0x80, v3, vm1, $0xb8;
	[tilespmem:$0x13800] =	vst v63  }
0x11a: {  	v3 =	vld [tilespmem:s14+$0x198];
	_ =	sdelay $0x4  }
0x11b: {  	v51 =	vperm.xlane v3, v0;
	_ =	sdelay $0x1  }
0x11c: {  	v3 =	vperm.xlane v3, v2;
	v4 =	vadd.s32 v1, v51;
	_ =	sdelay $0x1  }
0x11d: {  	v3 =	vadd.s32 v1, v3;
	_ =	sdelay $0x2  }
0x11e: {  	[tilespmem:s17], [sflag:$0x1] =	stream.indirect_vreg.gather [hbm4b:s3+s2], $0x80, v4, vm0, $0xb8;
	[tilespmem:$0x13800] =	vst v63  }
0x11f: {  	_ = 	snop  }
0x120: {  	[tilespmem:s18], [sflag:$0x1] =	stream.indirect_vreg.gather [hbm4b:s3+s2], $0x80, v3, vm0, $0xb8;
	[tilespmem:$0x13800] =	vst v63  }
0x121: {  	v3 =	vld.msk [tilespmem:s14+$0x1A8], $0xf;
	_ =	sdelay $0x4  }
0x122: {  	v3 =	vperm.xlane v3, v0;
	_ =	sdelay $0x1  }
0x123: {  	v3 =	vadd.s32 v1, v3;
	_ =	sdelay $0x3  }
0x124: {  	s16 =	simm.s32 $0xA400  }
0x125: {  	[tilespmem:s16], [sflag:$0x1] =	stream.indirect_vreg.gather [hbm4b:s3+s2], $0x80, v3, vm1, $0xb8;
	[tilespmem:$0x13800] =	vst v63  }
0x126: {  	v3 =	vld [tilespmem:s14+$0x1B0];
	_ =	sdelay $0x4  }
0x127: {  	v52 =	vperm.xlane v3, v0;
	_ =	sdelay $0x1  }
0x128: {  	v3 =	vperm.xlane v3, v2;
	v4 =	vadd.s32 v1, v52;
	_ =	sdelay $0x1  }
0x129: {  	v3 =	vadd.s32 v1, v3;
	_ =	sdelay $0x1  }
0x12a: {  	s16 =	simm.s32 $0x6800  }
0x12b: {  	[tilespmem:s16], [sflag:$0x1] =	stream.indirect_vreg.gather [hbm4b:s3+s2], $0x80, v4, vm0, $0xb8;
	[tilespmem:$0x13800] =	vst v63  }
0x12c: {  	_ = 	snop  }
0x12d: {  	[tilespmem:s21], [sflag:$0x1] =	stream.indirect_vreg.gather [hbm4b:s3+s2], $0x80, v3, vm0, $0xb8;
	[tilespmem:$0x13800] =	vst v63  }
0x12e: {  	v3 =	vld.msk [tilespmem:s14+$0x1C0], $0xf;
	_ =	sdelay $0x4  }
0x12f: {  	v3 =	vperm.xlane v3, v0;
	_ =	sdelay $0x1  }
0x130: {  	v3 =	vadd.s32 v1, v3;
	_ =	sdelay $0x3  }
0x131: {  	s16 =	simm.s32 $0xA800  }
0x132: {  	[tilespmem:s16], [sflag:$0x1] =	stream.indirect_vreg.gather [hbm4b:s3+s2], $0x80, v3, vm1, $0xb8;
	[tilespmem:$0x13800] =	vst v63  }
0x133: {  	v3 =	vld [tilespmem:s14+$0x1C8];
	_ =	sdelay $0x4  }
0x134: {  	v53 =	vperm.xlane v3, v0;
	_ =	sdelay $0x1  }
0x135: {  	v3 =	vperm.xlane v3, v2;
	v4 =	vadd.s32 v1, v53;
	_ =	sdelay $0x1  }
0x136: {  	v3 =	vadd.s32 v1, v3;
	_ =	sdelay $0x2  }
0x137: {  	[tilespmem:s23], [sflag:$0x1] =	stream.indirect_vreg.gather [hbm4b:s3+s2], $0x80, v4, vm0, $0xb8;
	[tilespmem:$0x13800] =	vst v63  }
0x138: {  	_ = 	snop  }
0x139: {  	[tilespmem:s24], [sflag:$0x1] =	stream.indirect_vreg.gather [hbm4b:s3+s2], $0x80, v3, vm0, $0xb8;
	[tilespmem:$0x13800] =	vst v63  }
0x13a: {  	v3 =	vld.msk [tilespmem:s14+$0x1D8], $0xf;
	_ =	sdelay $0x4  }
0x13b: {  	v3 =	vperm.xlane v3, v0;
	_ =	sdelay $0x1  }
0x13c: {  	v3 =	vadd.s32 v1, v3;
	_ =	sdelay $0x3  }
0x13d: {  	s16 =	simm.s32 $0xAC00  }
0x13e: {  	[tilespmem:s16], [sflag:$0x1] =	stream.indirect_vreg.gather [hbm4b:s3+s2], $0x80, v3, vm1, $0xb8;
	[tilespmem:$0x13800] =	vst v63  }
0x13f: {  	v3 =	vld [tilespmem:s14+$0x1E0];
	_ =	sdelay $0x4  }
0x140: {  	v54 =	vperm.xlane v3, v0;
	_ =	sdelay $0x1  }
0x141: {  	v3 =	vperm.xlane v3, v2;
	v4 =	vadd.s32 v1, v54;
	_ =	sdelay $0x1  }
0x142: {  	v3 =	vadd.s32 v1, v3;
	_ =	sdelay $0x2  }
0x143: {  	[tilespmem:s26], [sflag:$0x1] =	stream.indirect_vreg.gather [hbm4b:s3+s2], $0x80, v4, vm0, $0xb8;
	[tilespmem:$0x13800] =	vst v63  }
0x144: {  	_ = 	snop  }
0x145: {  	[tilespmem:s28], [sflag:$0x1] =	stream.indirect_vreg.gather [hbm4b:s3+s2], $0x80, v3, vm0, $0xb8;
	[tilespmem:$0x13800] =	vst v63  }
0x146: {  	v3 =	vld.msk [tilespmem:s14+$0x1F0], $0xf;
	_ =	sdelay $0x4  }
0x147: {  	v3 =	vperm.xlane v3, v0;
	_ =	sdelay $0x1  }
0x148: {  	v3 =	vadd.s32 v1, v3;
	_ =	sdelay $0x3  }
0x149: {  	s16 =	simm.s32 $0xB000  }
0x14a: {  	[tilespmem:s16], [sflag:$0x1] =	stream.indirect_vreg.gather [hbm4b:s3+s2], $0x80, v3, vm1, $0xb8;
	[tilespmem:$0x13800] =	vst v63  }
0x14b: {  	v3 =	vld [tilespmem:s14+$0x1F8];
	_ =	sdelay $0x4  }
0x14c: {  	v55 =	vperm.xlane v3, v0;
	_ =	sdelay $0x1  }
0x14d: {  	v3 =	vperm.xlane v3, v2;
	v4 =	vadd.s32 v1, v55;
	_ =	sdelay $0x1  }
0x14e: {  	v3 =	vadd.s32 v1, v3;
	_ =	sdelay $0x2  }
0x14f: {  	[tilespmem:s13], [sflag:$0x1] =	stream.indirect_vreg.gather [hbm4b:s3+s2], $0x80, v4, vm0, $0xb8;
	[tilespmem:$0x13800] =	vst v63  }
0x150: {  	s6 =	simm.s32 $0x9400  }
0x151: {  	[tilespmem:s6], [sflag:$0x1] =	stream.indirect_vreg.gather [hbm4b:s3+s2], $0x80, v3, vm0, $0xb8;
	[tilespmem:$0x13800] =	vst v63  }
0x152: {  	v3 =	vld.msk [tilespmem:s14+$0x208], $0xf;
	_ =	sdelay $0x4  }
0x153: {  	v3 =	vperm.xlane v3, v0;
	_ =	sdelay $0x1  }
0x154: {  	v3 =	vadd.s32 v1, v3;
	_ =	sdelay $0x4  }
0x155: {  	[tilespmem:s7], [sflag:$0x1] =	stream.indirect_vreg.gather [hbm4b:s3+s2], $0x80, v3, vm1, $0xb8;
	[tilespmem:$0x13800] =	vst v63  }
0x156: {  	v3 =	vld [tilespmem:s14+$0x210];
	_ =	sdelay $0x4  }
0x157: {  	v56 =	vperm.xlane v3, v0;
	_ =	sdelay $0x1  }
0x158: {  	v3 =	vperm.xlane v3, v2;
	v4 =	vadd.s32 v1, v56;
	_ =	sdelay $0x1  }
0x159: {  	v3 =	vadd.s32 v1, v3;
	_ =	sdelay $0x2  }
0x15a: {  	[tilespmem:s25], [sflag:$0x1] =	stream.indirect_vreg.gather [hbm4b:s3+s2], $0x80, v4, vm0, $0xb8;
	[tilespmem:$0x13800] =	vst v63  }
0x15b: {  	s16 =	simm.s32 $0x9800  }
0x15c: {  	[tilespmem:s16], [sflag:$0x1] =	stream.indirect_vreg.gather [hbm4b:s3+s2], $0x80, v3, vm0, $0xb8;
	[tilespmem:$0x13800] =	vst v63  }
0x15d: {  	v3 =	vld.msk [tilespmem:s14+$0x220], $0xf;
	_ =	sdelay $0x4  }
0x15e: {  	v3 =	vperm.xlane v3, v0;
	_ =	sdelay $0x1  }
0x15f: {  	v3 =	vadd.s32 v1, v3;
	_ =	sdelay $0x3  }
0x160: {  	s16 =	simm.s32 $0xB800  }
0x161: {  	[tilespmem:s16], [sflag:$0x1] =	stream.indirect_vreg.gather [hbm4b:s3+s2], $0x80, v3, vm1, $0xb8;
	[tilespmem:$0x13800] =	vst v63  }
0x162: {  	s15 =	sadd.s32 $0x228, s14  }
0x163: {  	[tilespmem:s22], [sflag:$0x1] =	stream.indirect.gather [hbm4b:s3+s19], $0x80, s15, s19, $0xb8;
	[tilespmem:$0x13800] =	vst v63  }
0x164: {  	_ =	swait.ge [sflag:s8], $0x6000  }
0x165: {  	[sflag:s8] =	ssyncset.done $0x0  }
0x166: {  	[sflag:s8] =	ssyncadd.s32 $0xFFFFA000  }
0x167: {  	_ =	swait.ge [sflag:s9], $0xA00  }
0x168: {  	[sflag:s9] =	ssyncset.done $0x0  }
0x169: {  	[sflag:s9] =	ssyncadd.s32 $0xFFFFF600  }
0x16a: {  	v3 =	vld [tilespmem:s14+$0x240];
	_ =	sdelay $0x4  }
0x16b: {  	v57 =	vperm.xlane v3, v0;
	_ =	sdelay $0x1  }
0x16c: {  	v3 =	vperm.xlane v3, v2;
	v4 =	vadd.s32 v1, v57;
	_ =	sdelay $0x1  }
0x16d: {  	v3 =	vadd.s32 v1, v3;
	_ =	sdelay $0x2  }
0x16e: {  	[tilespmem:s29], [sflag:$0x2] =	stream.indirect_vreg.gather [hbm4b:s3+s2], $0x80, v4, vm0, $0xb8;
	[tilespmem:$0x13800] =	vst v63  }
0x16f: {  	s29 =	simm.s32 $0xE000  }
0x170: {  	[tilespmem:s29], [sflag:$0x2] =	stream.indirect_vreg.gather [hbm4b:s3+s2], $0x80, v3, vm0, $0xb8;
	[tilespmem:$0x13800] =	vst v63  }
0x171: {  	v3 =	vld.msk [tilespmem:s14+$0x250], $0xf;
	_ =	sdelay $0x4  }
0x172: {  	v3 =	vperm.xlane v3, v0;
	_ =	sdelay $0x1  }
0x173: {  	v3 =	vadd.s32 v1, v3;
	_ =	sdelay $0x3  }
0x174: {  	s29 =	simm.s32 $0x10000  }
0x175: {  	[tilespmem:s29], [sflag:$0x2] =	stream.indirect_vreg.gather [hbm4b:s3+s2], $0x80, v3, vm1, $0xb8;
	[tilespmem:$0x13800] =	vst v63  }
0x176: {  	v3 =	vld [tilespmem:s14+$0x258];
	_ =	sdelay $0x4  }
0x177: {  	v58 =	vperm.xlane v3, v0;
	_ =	sdelay $0x1  }
0x178: {  	v3 =	vperm.xlane v3, v2;
	v4 =	vadd.s32 v1, v58;
	_ =	sdelay $0x1  }
0x179: {  	v3 =	vadd.s32 v1, v3;
	_ =	sdelay $0x1  }
0x17a: {  	s29 =	simm.s32 $0xC400  }
0x17b: {  	[tilespmem:s29], [sflag:$0x2] =	stream.indirect_vreg.gather [hbm4b:s3+s2], $0x80, v4, vm0, $0xb8;
	[tilespmem:$0x13800] =	vst v63  }
0x17c: {  	s29 =	simm.s32 $0xE400  }
0x17d: {  	[tilespmem:s29], [sflag:$0x2] =	stream.indirect_vreg.gather [hbm4b:s3+s2], $0x80, v3, vm0, $0xb8;
	[tilespmem:$0x13800] =	vst v63  }
0x17e: {  	v3 =	vld.msk [tilespmem:s14+$0x268], $0xf;
	_ =	sdelay $0x4  }
0x17f: {  	v3 =	vperm.xlane v3, v0;
	_ =	sdelay $0x1  }
0x180: {  	v3 =	vadd.s32 v1, v3;
	_ =	sdelay $0x3  }
0x181: {  	s29 =	simm.s32 $0x10400  }
0x182: {  	[tilespmem:s29], [sflag:$0x2] =	stream.indirect_vreg.gather [hbm4b:s3+s2], $0x80, v3, vm1, $0xb8;
	[tilespmem:$0x13800] =	vst v63  }
0x183: {  	v3 =	vld [tilespmem:s14+$0x270];
	_ =	sdelay $0x4  }
0x184: {  	v59 =	vperm.xlane v3, v0;
	_ =	sdelay $0x1  }
0x185: {  	v3 =	vperm.xlane v3, v2;
	v4 =	vadd.s32 v1, v59;
	_ =	sdelay $0x1  }
0x186: {  	v3 =	vadd.s32 v1, v3;
	_ =	sdelay $0x1  }
0x187: {  	s29 =	simm.s32 $0xC800  }
0x188: {  	[tilespmem:s29], [sflag:$0x2] =	stream.indirect_vreg.gather [hbm4b:s3+s2], $0x80, v4, vm0, $0xb8;
	[tilespmem:$0x13800] =	vst v63  }
0x189: {  	s29 =	simm.s32 $0xE800  }
0x18a: {  	[tilespmem:s29], [sflag:$0x2] =	stream.indirect_vreg.gather [hbm4b:s3+s2], $0x80, v3, vm0, $0xb8;
	[tilespmem:$0x13800] =	vst v63  }
0x18b: {  	v3 =	vld.msk [tilespmem:s14+$0x280], $0xf;
	_ =	sdelay $0x4  }
0x18c: {  	v3 =	vperm.xlane v3, v0;
	_ =	sdelay $0x1  }
0x18d: {  	v3 =	vadd.s32 v1, v3;
	_ =	sdelay $0x3  }
0x18e: {  	s29 =	simm.s32 $0x10800  }
0x18f: {  	[tilespmem:s29], [sflag:$0x2] =	stream.indirect_vreg.gather [hbm4b:s3+s2], $0x80, v3, vm1, $0xb8;
	[tilespmem:$0x13800] =	vst v63  }
0x190: {  	v3 =	vld [tilespmem:s14+$0x288];
	_ =	sdelay $0x4  }
0x191: {  	v60 =	vperm.xlane v3, v0;
	_ =	sdelay $0x1  }
0x192: {  	v3 =	vperm.xlane v3, v2;
	v4 =	vadd.s32 v1, v60;
	_ =	sdelay $0x1  }
0x193: {  	v3 =	vadd.s32 v1, v3;
	_ =	sdelay $0x1  }
0x194: {  	s29 =	simm.s32 $0xCC00  }
0x195: {  	[tilespmem:s29], [sflag:$0x2] =	stream.indirect_vreg.gather [hbm4b:s3+s2], $0x80, v4, vm0, $0xb8;
	[tilespmem:$0x13800] =	vst v63  }
0x196: {  	s29 =	simm.s32 $0xEC00  }
0x197: {  	[tilespmem:s29], [sflag:$0x2] =	stream.indirect_vreg.gather [hbm4b:s3+s2], $0x80, v3, vm0, $0xb8;
	[tilespmem:$0x13800] =	vst v63  }
0x198: {  	v3 =	vld.msk [tilespmem:s14+$0x298], $0xf;
	_ =	sdelay $0x4  }
0x199: {  	v3 =	vperm.xlane v3, v0;
	_ =	sdelay $0x1  }
0x19a: {  	v3 =	vadd.s32 v1, v3;
	_ =	sdelay $0x3  }
0x19b: {  	s29 =	simm.s32 $0x10C00  }
0x19c: {  	[tilespmem:s29], [sflag:$0x2] =	stream.indirect_vreg.gather [hbm4b:s3+s2], $0x80, v3, vm1, $0xb8;
	[tilespmem:$0x13800] =	vst v63  }
0x19d: {  	v3 =	vld [tilespmem:s14+$0x2A0];
	_ =	sdelay $0x4  }
0x19e: {  	v61 =	vperm.xlane v3, v0;
	_ =	sdelay $0x1  }
0x19f: {  	v3 =	vperm.xlane v3, v2;
	v4 =	vadd.s32 v1, v61;
	_ =	sdelay $0x1  }
0x1a0: {  	v3 =	vadd.s32 v1, v3;
	_ =	sdelay $0x1  }
0x1a1: {  	s29 =	simm.s32 $0xD000  }
0x1a2: {  	[tilespmem:s29], [sflag:$0x2] =	stream.indirect_vreg.gather [hbm4b:s3+s2], $0x80, v4, vm0, $0xb8;
	[tilespmem:$0x13800] =	vst v63  }
0x1a3: {  	s29 =	simm.s32 $0xF000  }
0x1a4: {  	[tilespmem:s29], [sflag:$0x2] =	stream.indirect_vreg.gather [hbm4b:s3+s2], $0x80, v3, vm0, $0xb8;
	[tilespmem:$0x13800] =	vst v63  }
0x1a5: {  	v3 =	vld.msk [tilespmem:s14+$0x2B0], $0xf;
	_ =	sdelay $0x4  }
0x1a6: {  	v3 =	vperm.xlane v3, v0;
	_ =	sdelay $0x1  }
0x1a7: {  	v3 =	vadd.s32 v1, v3;
	_ =	sdelay $0x3  }
0x1a8: {  	s29 =	simm.s32 $0x11000  }
0x1a9: {  	[tilespmem:s29], [sflag:$0x2] =	stream.indirect_vreg.gather [hbm4b:s3+s2], $0x80, v3, vm1, $0xb8;
	[tilespmem:$0x13800] =	vst v63  }
0x1aa: {  	v3 =	vld [tilespmem:s14+$0x2B8];
	_ =	sdelay $0x4  }
0x1ab: {  	v62 =	vperm.xlane v3, v0;
	_ =	sdelay $0x1  }
0x1ac: {  	v3 =	vperm.xlane v3, v2;
	v4 =	vadd.s32 v1, v62;
	_ =	sdelay $0x1  }
0x1ad: {  	v3 =	vadd.s32 v1, v3;
	_ =	sdelay $0x1  }
0x1ae: {  	s29 =	simm.s32 $0xD400  }
0x1af: {  	[tilespmem:s29], [sflag:$0x2] =	stream.indirect_vreg.gather [hbm4b:s3+s2], $0x80, v4, vm0, $0xb8;
	[tilespmem:$0x13800] =	vst v63  }
0x1b0: {  	s29 =	simm.s32 $0xF400  }
0x1b1: {  	[tilespmem:s29], [sflag:$0x2] =	stream.indirect_vreg.gather [hbm4b:s3+s2], $0x80, v3, vm0, $0xb8;
	[tilespmem:$0x13800] =	vst v63  }
0x1b2: {  	v3 =	vld.msk [tilespmem:s14+$0x2C8], $0xf;
	_ =	sdelay $0x4  }
0x1b3: {  	v3 =	vperm.xlane v3, v0;
	_ =	sdelay $0x1  }
0x1b4: {  	v3 =	vadd.s32 v1, v3;
	_ =	sdelay $0x3  }
0x1b5: {  	s29 =	simm.s32 $0x11400  }
0x1b6: {  	[tilespmem:s29], [sflag:$0x2] =	stream.indirect_vreg.gather [hbm4b:s3+s2], $0x80, v3, vm1, $0xb8;
	[tilespmem:$0x13800] =	vst v63  }
0x1b7: {  	v3 =	vld [tilespmem:s14+$0x2D0];
	_ =	sdelay $0x4  }
0x1b8: {  	v63 =	vperm.xlane v3, v0;
	_ =	sdelay $0x1  }
0x1b9: {  	v3 =	vperm.xlane v3, v2;
	v4 =	vadd.s32 v1, v63;
	_ =	sdelay $0x1  }
0x1ba: {  	v3 =	vadd.s32 v1, v3;
	_ =	sdelay $0x1  }
0x1bb: {  	s29 =	simm.s32 $0xD800  }
0x1bc: {  	[tilespmem:s29], [sflag:$0x2] =	stream.indirect_vreg.gather [hbm4b:s3+s2], $0x80, v4, vm0, $0xb8;
	[tilespmem:$0x13800] =	vst v63  }
0x1bd: {  	s29 =	simm.s32 $0xF800  }
0x1be: {  	[tilespmem:s29], [sflag:$0x2] =	stream.indirect_vreg.gather [hbm4b:s3+s2], $0x80, v3, vm0, $0xb8;
	[tilespmem:$0x13800] =	vst v63  }
0x1bf: {  	v3 =	vld.msk [tilespmem:s14+$0x2E0], $0xf;
	_ =	sdelay $0x4  }
0x1c0: {  	v3 =	vperm.xlane v3, v0;
	_ =	sdelay $0x1  }
0x1c1: {  	v3 =	vadd.s32 v1, v3;
	_ =	sdelay $0x1  }
0x1c2: {  	p0 =	sne.s32 s12, $0x17400  }
.Ltmp0:
0x1c3: {  	s12 =	sadd.s32 $0x600, s12;
	s5 =	simm.s32 $0x6000;
	(pc) =	sbr.rel @p0 .LBB2_2-.Ltmp0, $4  }
0x1c4: {  	s11 =	sadd.s32 $0x1800, s11;
	s10 =	sadd.s32 $0x300, s10;
	s16 =	simm.s32 $0x12000  }
0x1c5: {  	[tilespmem:s20], [sflag:$0x2] =	stream.indirect_vreg.gather [hbm4b:s3+s2], $0x80, v3, vm1, $0xb8;
	[tilespmem:$0x13800] =	vst v63  }
0x1c6: {  	s15 =	simm.s32 $0x8000;
	s22 =	simm.s32 $0xC000;
	s14 =	sadd.s32 $0x2E8, s14  }
0x1c7: {  	[tilespmem:s30], [sflag:$0x2] =	stream.indirect.gather [hbm4b:s3+s19], $0x80, s14, s19, $0xb8;
	[tilespmem:$0x13800] =	vst v63  }
0x1c8: {  	_ =	swait.ge [sflag:s31], $0xA00  }
0x1c9: {  	[sflag:s31] =	ssyncset.done $0x0  }
0x1ca: {  	[sflag:s31] =	ssyncadd.s32 $0xFFFFF600  }
0x1cb: {  	_ =	swait.ge [sflag:s31], $0xA00  }
0x1cc: {  	[sflag:s31] =	ssyncset.done $0x0  }
0x1cd: {  	[sflag:s31] =	ssyncadd.s32 $0xFFFFF600  }
0x1ce: {  	_ =	swait.ge [sflag:s31], $0xA00  }
0x1cf: {  	[sflag:s31] =	ssyncset.done $0x0  }
0x1d0: {  	[sflag:s31] =	ssyncadd.s32 $0xFFFFF600  }
0x1d1: {  	_ =	swait.ge [sflag:s31], $0xA00  }
0x1d2: {  	[sflag:s31] =	ssyncset.done $0x0  }
0x1d3: {  	[sflag:s31] =	ssyncadd.s32 $0xFFFFF600  }
0x1d4: {  	_ =	swait.ge [sflag:s31], $0xA00  }
0x1d5: {  	[sflag:s31] =	ssyncset.done $0x0  }
0x1d6: {  	[sflag:s31] =	ssyncadd.s32 $0xFFFFF600  }
0x1d7: {  	_ =	swait.ge [sflag:s31], $0xA00  }
0x1d8: {  	[sflag:s31] =	ssyncset.done $0x0  }
0x1d9: {  	[sflag:s31] =	ssyncadd.s32 $0xFFFFF600  }
0x1da: {  	_ =	swait.ge [sflag:s31], $0xA00  }
0x1db: {  	[sflag:s31] =	ssyncset.done $0x0  }
0x1dc: {  	[sflag:s31] =	ssyncadd.s32 $0xFFFFF600  }
0x1dd: {  	_ =	swait.ge [sflag:s31], $0xA00  }
0x1de: {  	[sflag:s31] =	ssyncset.done $0x0  }
0x1df: {  	s10 =	rddreg [dreg:$0x4];
	[sflag:s31] =	ssyncadd.s32 $0xFFFFF600  }
0x1e0: {  	[hbm4b:s10+s2] =	stream.linear.scatter [tilespmem:s5], [sflag:$0x3], $0x6000, $0x38;
	[tilespmem:$0x13800] =	vst v63  }
0x1e1: {  	s23 =	rddreg [dreg:$0x5]  }
0x1e2: {  	[hbm4b:s23+s2] =	stream.linear.scatter [tilespmem:s16], [sflag:$0x5], $0xA00, $0x38;
	[tilespmem:$0x13800] =	vst v63  }
0x1e3: {  	_ =	swait.ge [sflag:s1], $0xA00  }
0x1e4: {  	[sflag:s1] =	ssyncset.done $0x0  }
0x1e5: {  	[sflag:s1] =	ssyncadd.s32 $0xFFFFF600  }
0x1e6: {  	_ =	swait.ge [sflag:s1], $0xA00  }
0x1e7: {  	[sflag:s1] =	ssyncset.done $0x0  }
0x1e8: {  	[sflag:s1] =	ssyncadd.s32 $0xFFFFF600  }
0x1e9: {  	_ =	swait.ge [sflag:s1], $0xA00  }
0x1ea: {  	[sflag:s1] =	ssyncset.done $0x0  }
0x1eb: {  	[sflag:s1] =	ssyncadd.s32 $0xFFFFF600  }
0x1ec: {  	_ =	swait.ge [sflag:s1], $0xA00  }
0x1ed: {  	[sflag:s1] =	ssyncset.done $0x0  }
0x1ee: {  	[sflag:s1] =	ssyncadd.s32 $0xFFFFF600  }
0x1ef: {  	_ =	swait.ge [sflag:s1], $0xA00  }
0x1f0: {  	[sflag:s1] =	ssyncset.done $0x0  }
0x1f1: {  	[sflag:s1] =	ssyncadd.s32 $0xFFFFF600  }
0x1f2: {  	_ =	swait.ge [sflag:s1], $0xA00  }
0x1f3: {  	[sflag:s1] =	ssyncset.done $0x0  }
0x1f4: {  	[sflag:s1] =	ssyncadd.s32 $0xFFFFF600  }
0x1f5: {  	_ =	swait.ge [sflag:s1], $0xA00  }
0x1f6: {  	[sflag:s1] =	ssyncset.done $0x0  }
0x1f7: {  	[sflag:s1] =	ssyncadd.s32 $0xFFFFF600  }
0x1f8: {  	_ =	swait.ge [sflag:s1], $0xA00  }
0x1f9: {  	[sflag:s1] =	ssyncset.done $0x0  }
0x1fa: {  	s24 =	rddreg [dreg:$0x6];
	[sflag:s1] =	ssyncadd.s32 $0xFFFFF600  }
0x1fb: {  	[hbm4b:s24+s2] =	stream.linear.scatter [tilespmem:s22], [sflag:$0x4], $0x6000, $0x38;
	[tilespmem:$0x13800] =	vst v63  }
0x1fc: {  	s25 =	rddreg [dreg:$0x7]  }
0x1fd: {  	[hbm4b:s25+s2] =	stream.linear.scatter [tilespmem:s30], [sflag:$0x6], $0xA00, $0x38;
	[tilespmem:$0x13800] =	vst v63  }
0x1fe: {  	_ =	swait.ge [sflag:s0], $0x6000  }
0x1ff: {  	[sflag:s0] =	ssyncset.done $0x0  }
0x200: {  	[sflag:s0] =	ssyncadd.s32 $0xFFFFA000  }
0x201: {  	_ =	swait.ge [sflag:s4], $0xA00  }
0x202: {  	[sflag:s4] =	ssyncset.done $0x0  }
0x203: {  	[sflag:s4] =	ssyncadd.s32 $0xFFFFF600  }
0x204: {  	_ =	swait.ge [sflag:s8], $0x6000  }
0x205: {  	[sflag:s8] =	ssyncset.done $0x0  }
0x206: {  	[sflag:s8] =	ssyncadd.s32 $0xFFFFA000  }
0x207: {  	_ =	swait.ge [sflag:s9], $0xA00  }
0x208: {  	s11 =	simm.s32 $0xA000;
	s12 =	simm.s32 $0x6400;
	s7 =	rddreg [dreg:$0xb]  }
0x209: {  	s14 =	simm.s32 $0x8400;
	s26 =	rddreg [dreg:$0x8];
	s7 =	sadd.s32 $0x1, s7  }
0x20a: {  	s17 =	simm.s32 $0x6800;
	s18 =	simm.s32 $0x8800;
	p0 =	sne.s32 s7, s26  }
.Ltmp1:
0x20b: {  	s19 =	simm.s32 $0xA800;
	s20 =	simm.s32 $0x6C00;
	(pc) =	sbr.rel @p0 .LBB2_1-.Ltmp1, $4  }
0x20c: {  	s21 =	simm.s32 $0x8C00;
	s28 =	simm.s32 $0xAC00;
	s13 =	simm.s32 $0x7400  }
0x20d: {  	s29 =	simm.s32 $0x9800;
	s23 =	simm.s32 $0x7000;
	[sflag:s9] =	ssyncset.done $0x0  }
0x20e: {  	s24 =	simm.s32 $0x9000;
	s25 =	simm.s32 $0xB000;
	[sflag:s9] =	ssyncadd.s32 $0xFFFFF600  }
0x20f: {  	[dreg:$0xb] =	wrdreg s7;
	s26 =	simm.s32 $0xA400;
	s7 =	simm.s32 $0xB400  }
0x210: {  	_ =	sfence.sel $0x180000  }
0x211: {  	[bflag:$0x0] =	sbarrier.arrive $0xFFFF  }
0x212: {  	_ =	strace $0x90000047  }
0x213: {  	s0 =	stileid.u32;
	[bflag:$0x2] =	sbarrier.arrive $0xFFFF  }
0x214: {  	p0 =	sne.s32 s0, $0x0;
	s0 =	rddreg [dreg:$0x2]  }
0x215: {  	s0 =	sadd.s32 @!p0 $0x100000, s0  }
0x216: {  	[sflag:s0] =	ssyncadd.tile.s32 @!p0 $0x1;
	_ =	shalt  }
.Lfunc_end2:
_tile_overlayer_lowered:
.L_overlay_start_2:
0x217: {  	(tag) =	ssettag $0x2  }
0x218: {  	s0 =	rddreg [dreg:$0x0];
	s2 =	stileid.u32  }
0x219: {  	s1 =	rddreg [dreg:$0x1];
	p0 =	sne.s32 s2, $0x0  }
0x21a: {  	s3 =	rddreg [dreg:$0x2];
	[bflag:$0x3] =	sbarrier.arrive $0xFFFF;
	s2 =	simm.s32 @!p0 $0x1C07  }
0x21b: {  	[timem:s3], [sflag:s2] =	dma.local @!p0 [hbm:s0], s1  }
0x21c: {  	s0 =	simm.s32 @!p0 $0x7  }
0x21d: {  	_ =	swait.ge @!p0 [sflag:s0], s1  }
0x21e: {  	s1 =	ssub.s32 @!p0 $0x0, s1;
	[sflag:s0] =	ssyncset.done @!p0 $0x0  }
0x21f: {  	[sflag:s0] =	ssyncadd.s32 @!p0 s1  }
0x220: {  	[bflag:$0x3] =	sbarrier.arrive $0xFFFF  }
0x221: {  	_ =	shalt  }

</sc_bundles>
